<compile_context>
chip_gen: v7x
topology: tpu7x:2x2x1
jax: 0.10.2.dev20260603
libtpu: 0.0.44.dev20260713+nightly
codegen_flags: <defaults>
</compile_context>

<pallas_src>
import jax
import jax.numpy as jnp
from jax import lax
from jax.experimental import pallas as pl
from jax.experimental.pallas import tpu as pltpu
from jax.experimental.pallas import tpu_sc as plsc

N = 10000
NP = 10240
C = 128
E = 320000
NS = 16
K = 128
EP = 327680
ROWS = EP // K
CHUNKS = ROWS // NS
SB = 32
BLOCKS = CHUNKS // SB
RPT = NP // NS
CW = 16


def _make_agg():
  out_type = [
      jax.ShapeDtypeStruct((NP, C), jnp.float32),
      jax.ShapeDtypeStruct((NP, C), jnp.float32),
  ]
  scratch = [
      pltpu.VMEM((SB, K), jnp.int32),
      pltpu.VMEM((SB, K), jnp.int32),
      pltpu.VMEM((K, C), jnp.float32),
      pltpu.VMEM_SHARED((NP, C), jnp.float32),
      pltpu.SemaphoreType.DMA,
  ]

  def body(xu, xi, src_ui, dst_ui, src_iu, dst_iu, z128,
           sum_i, sum_u, src_blk, dst_blk, rows_v, acc, sem):
    c = lax.axis_index("c")
    s = lax.axis_index("s")
    r0 = s * RPT

    def run(x_hbm, src_hbm, dst_hbm, sum_out):
      pltpu.sync_copy(z128.at[pl.ds(r0, RPT)], acc.at[pl.ds(r0, RPT)])
      plsc.subcore_barrier()

      def block(b, carry):
        i0 = s * CHUNKS + b * SB
        pltpu.sync_copy(src_hbm.at[pl.ds(i0, SB)], src_blk)
        pltpu.sync_copy(dst_hbm.at[pl.ds(i0, SB)], dst_blk)

        def chunk(g, carry2):
          pltpu.async_copy(x_hbm.at[src_blk.at[g]], rows_v, sem).wait()
          pltpu.sync_copy(rows_v, acc.at[dst_blk.at[g]], add=True)
          return carry2
        lax.fori_loop(0, SB, chunk, 0)
        return carry
      lax.fori_loop(0, BLOCKS, block, 0)
      plsc.subcore_barrier()
      pltpu.sync_copy(acc.at[pl.ds(r0, RPT)], sum_out.at[pl.ds(r0, RPT)])

    @pl.when(c == 0)
    def _():
      run(xu, src_ui, dst_ui, sum_i)

    @pl.when(c == 1)
    def _():
      run(xi, src_iu, dst_iu, sum_u)

  mesh = plsc.VectorSubcoreMesh(core_axis_name="c", subcore_axis_name="s")
  return pl.kernel(body, out_type=out_type, mesh=mesh,
                   scratch_types=scratch, name="sc_segment_sum")


def _make_counts():
  out_type = [jax.ShapeDtypeStruct((NP, C), jnp.float32)] * 2
  scratch = [
      pltpu.VMEM((SB, K), jnp.int32),
      pltpu.VMEM((K, C), jnp.float32),
      pltpu.VMEM_SHARED((NP, C), jnp.float32),
  ]

  def body(dst_ui, dst_iu, z128, o128, cnt_i, cnt_u, dst_blk, ones_v, cacc):
    c = lax.axis_index("c")
    s = lax.axis_index("s")
    r0 = s * RPT

    def run(dst_hbm, cnt_out):
      pltpu.sync_copy(z128.at[pl.ds(r0, RPT)], cacc.at[pl.ds(r0, RPT)])
      pltpu.sync_copy(o128, ones_v)
      plsc.subcore_barrier()

      def block(b, carry):
        pltpu.sync_copy(dst_hbm.at[pl.ds(s * CHUNKS + b * SB, SB)], dst_blk)

        def chunk(g, carry2):
          pltpu.sync_copy(ones_v, cacc.at[dst_blk.at[g]], add=True)
          return carry2
        lax.fori_loop(0, SB, chunk, 0)
        return carry
      lax.fori_loop(0, BLOCKS, block, 0)
      plsc.subcore_barrier()
      pltpu.sync_copy(cacc.at[pl.ds(r0, RPT)], cnt_out.at[pl.ds(r0, RPT)])

    @pl.when(c == 0)
    def _():
      run(dst_ui, cnt_i)

    @pl.when(c == 1)
    def _():
      run(dst_iu, cnt_u)

  mesh = plsc.VectorSubcoreMesh(core_axis_name="c", subcore_axis_name="s")
  return pl.kernel(body, out_type=out_type, mesh=mesh,
                   scratch_types=scratch, name="sc_segment_count")


_BLK = 1000


def _ln_relu(x, scale, bias, eps=1e-5):
  mu = jnp.mean(x, axis=-1, keepdims=True)
  var = jnp.mean((x - mu) ** 2, axis=-1, keepdims=True)
  return jnp.maximum((x - mu) / jnp.sqrt(var + eps) * scale + bias, 0.0)


def _mean(sum_ref, cnt_ref):
  cnt = cnt_ref[...][:, :1]
  return sum_ref[...] * (1.0 / jnp.maximum(cnt, 1.0))


def _node_update(x, agg, ws, wr, bt, lns, lnb):
  n = (jnp.dot(x, ws[...], preferred_element_type=jnp.float32)
       + jnp.dot(agg, wr[...], preferred_element_type=jnp.float32)
       + bt[...])
  return _ln_relu(n, lns[...], lnb[...])


def _dense1_body(xu, xi, su, si, cu, ci, wsu, wsi, wru2i, wri2u,
                 btu, bti, lnsu, lnbu, lnsi, lnbi, xu_out, xi_out):
  xu_out[...] = _node_update(xu[...], _mean(su, cu), wsu, wri2u, btu,
                             lnsu, lnbu)
  xi_out[...] = _node_update(xi[...], _mean(si, ci), wsi, wru2i, bti,
                             lnsi, lnbi)


def _dense2_body(xu, xi, su, si, cu, ci, wsu, wsi, wru2i, wri2u, btu, bti,
                 lnsu, lnbu, lnsi, lnbi, wlua, wlub, wlia, wlib, blu, bli,
                 l2su, l2bu, l2si, l2bi, ou_out, oi_out):
  xu2 = _node_update(xu[...], _mean(su, cu), wsu, wri2u, btu, lnsu, lnbu)
  xi2 = _node_update(xi[...], _mean(si, ci), wsi, wru2i, bti, lnsi, lnbi)
  ju = (jnp.dot(xu[...], wlua[...], preferred_element_type=jnp.float32)
        + jnp.dot(xu2, wlub[...], preferred_element_type=jnp.float32)
        + blu[...])
  ji = (jnp.dot(xi[...], wlia[...], preferred_element_type=jnp.float32)
        + jnp.dot(xi2, wlib[...], preferred_element_type=jnp.float32)
        + bli[...])
  ou_out[...] = _ln_relu(ju, l2su[...], l2bu[...])
  oi_out[...] = _ln_relu(ji, l2si[...], l2bi[...])


def _row_spec():
  return pl.BlockSpec((_BLK, C), lambda i: (i, 0))


def _cnt_spec():
  return _row_spec()


def _full_spec(shape):
  return pl.BlockSpec(shape, lambda i, _shape=shape: tuple(0 for _ in _shape))


def _dense1(*args):
  in_specs = ([_row_spec()] * 4 + [_cnt_spec()] * 2
              + [_full_spec((C, C))] * 4 + [_full_spec((1, C))] * 6)
  return pl.pallas_call(
      _dense1_body,
      grid=(N // _BLK,),
      in_specs=in_specs,
      out_specs=[_row_spec()] * 2,
      out_shape=[jax.ShapeDtypeStruct((N, C), jnp.float32)] * 2,
  )(*args)


def _dense2(*args):
  in_specs = ([_row_spec()] * 4 + [_cnt_spec()] * 2
              + [_full_spec((C, C))] * 4 + [_full_spec((1, C))] * 6
              + [_full_spec((C, C))] * 4 + [_full_spec((1, C))] * 6)
  return pl.pallas_call(
      _dense2_body,
      grid=(N // _BLK,),
      in_specs=in_specs,
      out_specs=[_row_spec()] * 2,
      out_shape=[jax.ShapeDtypeStruct((N, C), jnp.float32)] * 2,
  )(*args)


def _pad_edges(e):
  npad = EP - E
  src = jnp.concatenate([e[0], jnp.zeros((npad,), jnp.int32)])
  dst = jnp.concatenate([e[1], jnp.full((npad,), N, jnp.int32)])
  return src.reshape(ROWS, K), dst.reshape(ROWS, K)


def kernel(x_user, x_item, edge_user_item, edge_item_user, W_self_user,
           b_self_user, W_self_item, b_self_item, W_rel_u2i, b_rel_u2i,
           W_rel_i2u, b_rel_i2u, ln_scale_user, ln_bias_user, ln_scale_item,
           ln_bias_item, W_lin_user, b_lin_user, ln2_scale_user,
           ln2_bias_user, W_lin_item, b_lin_item, ln2_scale_item,
           ln2_bias_item):
  src_ui, dst_ui = _pad_edges(edge_user_item)
  src_iu, dst_iu = _pad_edges(edge_item_user)
  z128 = jnp.zeros((NP, C), jnp.float32)
  o128 = jnp.ones((K, C), jnp.float32)

  agg = _make_agg()
  counts = _make_counts()

  cnt_i, cnt_u = counts(dst_ui, dst_iu, z128, o128)
  sum_i0, sum_u0 = agg(x_user, x_item, src_ui, dst_ui, src_iu, dst_iu, z128)

  def row(v):
    return v.reshape(1, C)

  xu1, xi1 = _dense1(
      x_user, x_item, sum_u0, sum_i0, cnt_u, cnt_i,
      W_self_user[0], W_self_item[0], W_rel_u2i[0], W_rel_i2u[0],
      row(b_self_user[0] + b_rel_i2u[0]), row(b_self_item[0] + b_rel_u2i[0]),
      row(ln_scale_user[0]), row(ln_bias_user[0]),
      row(ln_scale_item[0]), row(ln_bias_item[0]))

  sum_i1, sum_u1 = agg(xu1, xi1, src_ui, dst_ui, src_iu, dst_iu, z128)

  ou, oi = _dense2(
      xu1, xi1, sum_u1, sum_i1, cnt_u, cnt_i,
      W_self_user[1], W_self_item[1], W_rel_u2i[1], W_rel_i2u[1],
      row(b_self_user[1] + b_rel_i2u[1]), row(b_self_item[1] + b_rel_u2i[1]),
      row(ln_scale_user[1]), row(ln_bias_user[1]),
      row(ln_scale_item[1]), row(ln_bias_item[1]),
      W_lin_user[:C], W_lin_user[C:], W_lin_item[:C], W_lin_item[C:],
      row(b_lin_user), row(b_lin_item),
      row(ln2_scale_user), row(ln2_bias_user),
      row(ln2_scale_item), row(ln2_bias_item))

  return jnp.concatenate([ou, oi], axis=0)

# --- scband reference (transcript-rebuilt; emitter-appended) ---
"""Pipeline reference for scband-hetero-model-89060441850180 (READ-ONLY COPY).

The authoritative reference and input builder live on the scoring server;
editing this copy changes nothing except your own understanding.
"""

import jax, jax.numpy as jnp
import numpy as np

N_USER = 10000
N_ITEM = 10000
E = 320000
C = 128
L = 2

def layer_norm(x, scale, bias, eps=1e-5):
    mu = jnp.mean(x, axis=-1, keepdims=True)
    var = jnp.mean((x - mu) ** 2, axis=-1, keepdims=True)
    return (x - mu) / jnp.sqrt(var + eps) * scale + bias

def mean_aggr(msgs, dst, num_dst):
    s = jax.ops.segment_sum(msgs, dst, num_segments=num_dst)
    cnt = jax.ops.segment_sum(jnp.ones((msgs.shape[0],), msgs.dtype), dst, num_segments=num_dst)
    return s / jnp.clip(cnt, 1.0)[:, None]

def setup_inputs(seed: int = 0):
    key = jax.random.key(seed)
    ks = jax.random.split(key, 24)
    s = 0.05
    inp = {}
    inp["x_user"] = jax.random.normal(ks[0], (N_USER, C), dtype=jnp.float32)
    inp["x_item"] = jax.random.normal(ks[1], (N_ITEM, C), dtype=jnp.float32)
    inp["edge_user_item"] = jax.random.randint(ks[2], (2, E), 0, N_USER, dtype=jnp.int32)
    inp["edge_item_user"] = jax.random.randint(ks[3], (2, E), 0, N_ITEM, dtype=jnp.int32)
    inp["W_self_user"] = jax.random.normal(ks[4], (L, C, C), dtype=jnp.float32) * s
    inp["b_self_user"] = jnp.zeros((L, C), dtype=jnp.float32)
    inp["W_self_item"] = jax.random.normal(ks[5], (L, C, C), dtype=jnp.float32) * s
    inp["b_self_item"] = jnp.zeros((L, C), dtype=jnp.float32)
    inp["W_rel_u2i"] = jax.random.normal(ks[6], (L, C, C), dtype=jnp.float32) * s
    inp["b_rel_u2i"] = jnp.zeros((L, C), dtype=jnp.float32)
    inp["W_rel_i2u"] = jax.random.normal(ks[7], (L, C, C), dtype=jnp.float32) * s
    inp["b_rel_i2u"] = jnp.zeros((L, C), dtype=jnp.float32)
    inp["ln_scale_user"] = jnp.ones((L, C), dtype=jnp.float32)
    inp["ln_bias_user"] = jnp.zeros((L, C), dtype=jnp.float32)
    inp["ln_scale_item"] = jnp.ones((L, C), dtype=jnp.float32)
    inp["ln_bias_item"] = jnp.zeros((L, C), dtype=jnp.float32)
    inp["W_lin_user"] = jax.random.normal(ks[8], (L * C, C), dtype=jnp.float32) * s
    inp["b_lin_user"] = jnp.zeros((C,), dtype=jnp.float32)
    inp["ln2_scale_user"] = jnp.ones((C,), dtype=jnp.float32)
    inp["ln2_bias_user"] = jnp.zeros((C,), dtype=jnp.float32)
    inp["W_lin_item"] = jax.random.normal(ks[9], (L * C, C), dtype=jnp.float32) * s
    inp["b_lin_item"] = jnp.zeros((C,), dtype=jnp.float32)
    inp["ln2_scale_item"] = jnp.ones((C,), dtype=jnp.float32)
    inp["ln2_bias_item"] = jnp.zeros((C,), dtype=jnp.float32)
    return inp

def reference(x_user, x_item, edge_user_item, edge_item_user, W_self_user, b_self_user, W_self_item, b_self_item, W_rel_u2i, b_rel_u2i, W_rel_i2u, b_rel_i2u, ln_scale_user, ln_bias_user, ln_scale_item, ln_bias_item, W_lin_user, b_lin_user, ln2_scale_user, ln2_bias_user, W_lin_item, b_lin_item, ln2_scale_item, ln2_bias_item):
    xu, xi = x_user, x_item
    xs_u, xs_i = [], []
    for l in range(L):
        agg_i = mean_aggr(xu[edge_user_item[0]], edge_user_item[1], N_ITEM)
        agg_u = mean_aggr(xi[edge_item_user[0]], edge_item_user[1], N_USER)
        nu = xu @ W_self_user[l] + b_self_user[l] + agg_u @ W_rel_i2u[l] + b_rel_i2u[l]
        ni = xi @ W_self_item[l] + b_self_item[l] + agg_i @ W_rel_u2i[l] + b_rel_u2i[l]
        xu = jax.nn.relu(layer_norm(nu, ln_scale_user[l], ln_bias_user[l]))
        xi = jax.nn.relu(layer_norm(ni, ln_scale_item[l], ln_bias_item[l]))
        xs_u.append(xu)
        xs_i.append(xi)
    ju = jnp.concatenate(xs_u, axis=-1)
    ji = jnp.concatenate(xs_i, axis=-1)
    ou = jax.nn.relu(layer_norm(ju @ W_lin_user + b_lin_user, ln2_scale_user, ln2_bias_user))
    oi = jax.nn.relu(layer_norm(ji @ W_lin_item + b_lin_item, ln2_scale_item, ln2_bias_item))
    return jnp.concatenate([ou, oi], axis=0)

if __name__ == "__main__":
    import jax
    _d = setup_inputs()
    print(jax.jit(kernel)(*tuple(_d.values())))

</pallas_src>

<mosaic_0001>
#map = affine_map<(d0, d1) -> (0, 0)>
module attributes {stable_mosaic.version = 14 : i64} {
  func.func @sc_segment_count(%arg0: i32, %arg1: i32, %arg2: memref<2560x128xi32, #tpu.memory_space<hbm>>, %arg3: memref<2560x128xi32, #tpu.memory_space<hbm>>, %arg4: memref<10240x128xf32, #tpu.memory_space<hbm>>, %arg5: memref<128x128xf32, #tpu.memory_space<hbm>>, %arg6: memref<10240x128xf32, #tpu.memory_space<hbm>>, %arg7: memref<10240x128xf32, #tpu.memory_space<hbm>>, %arg8: memref<32x128xi32, #tpu.memory_space<vmem>>, %arg9: memref<128x128xf32, #tpu.memory_space<vmem>>, %arg10: memref<10240x128xf32, #tpu.memory_space<vmem_shared>>) attributes {dimension_semantics = [#tpu.dimension_semantics<core_parallel>, #tpu.dimension_semantics<subcore_parallel>], iteration_bounds = array<i64: 2, 16>, scalar_prefetch = 0 : i64, scratch_operands = 3 : i64, tpu.core_type = #tpu.core_type<sc_vector_subcore>, window_params = [{transform_indices = #map}, {transform_indices = #map}, {transform_indices = #map}, {transform_indices = #map}, {transform_indices = #map}, {transform_indices = #map}]} {
    %mul3A = arith.constant 640 : i32
    %mul3A_0 = arith.muli %arg1, %mul3A : i32
    %eq3A = arith.constant 0 : i32
    %eq3A_1 = arith.cmpi eq, %arg0, %eq3A : i32
    %convert_element_type3A = arith.extui %eq3A_1 : i1 to i32
    %cond3A = arith.constant 0 : i32
    %cond3A_2 = arith.cmpi ne, %convert_element_type3A, %cond3A : i32
    scf.if %cond3A_2 {
      "tpu.region"() ({
        %run_scoped3A = tpu.sem_alloc : memref<!tpu.dma_semaphore, #tpu.memory_space<semaphore_mem>>
        %dma_start3A = arith.constant 0 : i32
        %dma_start3A_14 = tpu.memref_slice %arg10[%mul3A_0, %dma_start3A] : memref<10240x128xf32, #tpu.memory_space<vmem_shared>> -> memref<640x128xf32, #tpu.memory_space<vmem_shared>>
        %dma_start3A_15 = arith.constant 0 : i32
        %dma_start3A_16 = tpu.memref_slice %arg4[%mul3A_0, %dma_start3A_15] : memref<10240x128xf32, #tpu.memory_space<hbm>> -> memref<640x128xf32, #tpu.memory_space<hbm>>
        tpu.enqueue_dma source(%dma_start3A_16 : memref<640x128xf32, #tpu.memory_space<hbm>>) target(%dma_start3A_14 : memref<640x128xf32, #tpu.memory_space<vmem_shared>>) target_semaphore(%run_scoped3A : memref<!tpu.dma_semaphore, #tpu.memory_space<semaphore_mem>>)
        %dma_wait3A = arith.constant 0 : i32
        %dma_wait3A_17 = tpu.memref_slice %arg10[%mul3A_0, %dma_wait3A] : memref<10240x128xf32, #tpu.memory_space<vmem_shared>> -> memref<640x128xf32, #tpu.memory_space<vmem_shared>>
        %dma_wait3A_18 = arith.constant 0 : i32
        %dma_wait3A_19 = tpu.memref_slice %arg4[%mul3A_0, %dma_wait3A_18] : memref<10240x128xf32, #tpu.memory_space<hbm>> -> memref<640x128xf32, #tpu.memory_space<hbm>>
        tpu.wait_dma2 semaphore(%run_scoped3A : memref<!tpu.dma_semaphore, #tpu.memory_space<semaphore_mem>>) src(%dma_wait3A_19 : memref<640x128xf32, #tpu.memory_space<hbm>>) dst(%dma_wait3A_17 : memref<640x128xf32, #tpu.memory_space<vmem_shared>>)
        tpu.yield
      }) : () -> ()
      "tpu.region"() ({
        %run_scoped3A = tpu.sem_alloc : memref<!tpu.dma_semaphore, #tpu.memory_space<semaphore_mem>>
        tpu.enqueue_dma source(%arg5 : memref<128x128xf32, #tpu.memory_space<hbm>>) target(%arg9 : memref<128x128xf32, #tpu.memory_space<vmem>>) target_semaphore(%run_scoped3A : memref<!tpu.dma_semaphore, #tpu.memory_space<semaphore_mem>>)
        tpu.wait_dma2 semaphore(%run_scoped3A : memref<!tpu.dma_semaphore, #tpu.memory_space<semaphore_mem>>) src(%arg5 : memref<128x128xf32, #tpu.memory_space<hbm>>) dst(%arg9 : memref<128x128xf32, #tpu.memory_space<vmem>>)
        tpu.yield
      }) : () -> ()
      %barrier3A = arith.constant 0 : index
      tpu.barrier barrier_id(%barrier3A)
      %scan3A = arith.constant 0 : i32
      %scan3A_8 = arith.constant 0 : i32
      %scan3A_9 = arith.constant 5 : i32
      %scan3A_10 = arith.addi %scan3A_8, %scan3A_9 : i32
      %scan3A_11 = arith.constant 1 : i32
      scf.for %scan3A_14 = %scan3A_8 to %scan3A_10 step %scan3A_11  : i32 {
        %mul3A_15 = arith.constant 160 : i32
        %mul3A_16 = arith.muli %arg1, %mul3A_15 : i32
        %mul3A_17 = arith.constant 32 : i32
        %mul3A_18 = arith.muli %scan3A_14, %mul3A_17 : i32
        %add3A = arith.addi %mul3A_16, %mul3A_18 : i32
        "tpu.region"() ({
          %run_scoped3A = tpu.sem_alloc : memref<!tpu.dma_semaphore, #tpu.memory_space<semaphore_mem>>
          %dma_start3A = arith.constant 0 : i32
          %dma_start3A_25 = tpu.memref_slice %arg2[%add3A, %dma_start3A] : memref<2560x128xi32, #tpu.memory_space<hbm>> -> memref<32x128xi32, #tpu.memory_space<hbm>>
          %dma_start3A_26 = arith.constant 0 : i32
          %dma_start3A_27 = tpu.memref_slice %arg2[%add3A, %dma_start3A_26] : memref<2560x128xi32, #tpu.memory_space<hbm>> -> memref<32x128xi32, #tpu.memory_space<hbm>>
          tpu.enqueue_dma source(%dma_start3A_27 : memref<32x128xi32, #tpu.memory_space<hbm>>) target(%arg8 : memref<32x128xi32, #tpu.memory_space<vmem>>) target_semaphore(%run_scoped3A : memref<!tpu.dma_semaphore, #tpu.memory_space<semaphore_mem>>)
          %dma_wait3A = arith.constant 0 : i32
          %dma_wait3A_28 = tpu.memref_slice %arg2[%add3A, %dma_wait3A] : memref<2560x128xi32, #tpu.memory_space<hbm>> -> memref<32x128xi32, #tpu.memory_space<hbm>>
          %dma_wait3A_29 = arith.constant 0 : i32
          %dma_wait3A_30 = tpu.memref_slice %arg2[%add3A, %dma_wait3A_29] : memref<2560x128xi32, #tpu.memory_space<hbm>> -> memref<32x128xi32, #tpu.memory_space<hbm>>
          tpu.wait_dma2 semaphore(%run_scoped3A : memref<!tpu.dma_semaphore, #tpu.memory_space<semaphore_mem>>) src(%dma_wait3A_30 : memref<32x128xi32, #tpu.memory_space<hbm>>) dst(%arg8 : memref<32x128xi32, #tpu.memory_space<vmem>>)
          tpu.yield
        }) : () -> ()
        %scan3A_19 = arith.constant 0 : i32
        %scan3A_20 = arith.constant 0 : i32
        %scan3A_21 = arith.constant 32 : i32
        %scan3A_22 = arith.addi %scan3A_20, %scan3A_21 : i32
        %scan3A_23 = arith.constant 1 : i32
        scf.for %scan3A_25 = %scan3A_20 to %scan3A_22 step %scan3A_23  : i32 {
          "tpu.region"() ({
            %run_scoped3A = tpu.sem_alloc : memref<!tpu.dma_semaphore, #tpu.memory_space<semaphore_mem>>
            %dma_start3A = arith.constant 0 : i32
            %dma_start3A_26 = tpu.memref_slice %arg8[%scan3A_25, %dma_start3A] : memref<32x128xi32, #tpu.memory_space<vmem>> -> memref<1x128xi32, #tpu.memory_space<vmem>>
            %dma_start3A_27 = tpu.memref_squeeze %dma_start3A_26 : memref<1x128xi32, #tpu.memory_space<vmem>> -> memref<128xi32, #tpu.memory_space<vmem>>
            %dma_start3A_28 = arith.constant 0 : i32
            %dma_start3A_29 = arith.constant 0 : i32
            %dma_start3A_30 = tpu.memref_slice %arg10[%dma_start3A_28, %dma_start3A_29] : memref<10240x128xf32, #tpu.memory_space<vmem_shared>> -> memref<10240x128xf32, #tpu.memory_space<vmem_shared>>
            tpu.enqueue_indirect_dma source(%arg9 : memref<128x128xf32, #tpu.memory_space<vmem>>) target(%dma_start3A_30 : memref<10240x128xf32, #tpu.memory_space<vmem_shared>>) offsets(%dma_start3A_27 : memref<128xi32, #tpu.memory_space<vmem>>) semaphore(%run_scoped3A : memref<!tpu.dma_semaphore, #tpu.memory_space<semaphore_mem>>) {add = true}
            %dma_wait3A = arith.constant 0 : i32
            %dma_wait3A_31 = tpu.memref_slice %arg8[%scan3A_25, %dma_wait3A] : memref<32x128xi32, #tpu.memory_space<vmem>> -> memref<1x128xi32, #tpu.memory_space<vmem>>
            %dma_wait3A_32 = tpu.memref_squeeze %dma_wait3A_31 : memref<1x128xi32, #tpu.memory_space<vmem>> -> memref<128xi32, #tpu.memory_space<vmem>>
            %dma_wait3A_33 = arith.constant 0 : i32
            %dma_wait3A_34 = arith.constant 0 : i32
            %dma_wait3A_35 = tpu.memref_slice %arg10[%dma_wait3A_33, %dma_wait3A_34] : memref<10240x128xf32, #tpu.memory_space<vmem_shared>> -> memref<10240x128xf32, #tpu.memory_space<vmem_shared>>
            tpu.wait_indirect_dma semaphore(%run_scoped3A : memref<!tpu.dma_semaphore, #tpu.memory_space<semaphore_mem>>) src(%arg9 : memref<128x128xf32, #tpu.memory_space<vmem>>) dst(%dma_wait3A_35 : memref<10240x128xf32, #tpu.memory_space<vmem_shared>>)
            tpu.yield
          }) : () -> ()
        }
        %scan3A_24 = arith.constant 32 : i32
      }
      %scan3A_12 = arith.constant 5 : i32
      %barrier3A_13 = arith.constant 0 : index
      tpu.barrier barrier_id(%barrier3A_13)
      "tpu.region"() ({
        %run_scoped3A = tpu.sem_alloc : memref<!tpu.dma_semaphore, #tpu.memory_space<semaphore_mem>>
        %dma_start3A = arith.constant 0 : i32
        %dma_start3A_14 = tpu.memref_slice %arg6[%mul3A_0, %dma_start3A] : memref<10240x128xf32, #tpu.memory_space<hbm>> -> memref<640x128xf32, #tpu.memory_space<hbm>>
        %dma_start3A_15 = arith.constant 0 : i32
        %dma_start3A_16 = tpu.memref_slice %arg10[%mul3A_0, %dma_start3A_15] : memref<10240x128xf32, #tpu.memory_space<vmem_shared>> -> memref<640x128xf32, #tpu.memory_space<vmem_shared>>
        tpu.enqueue_dma source(%dma_start3A_16 : memref<640x128xf32, #tpu.memory_space<vmem_shared>>) target(%dma_start3A_14 : memref<640x128xf32, #tpu.memory_space<hbm>>) target_semaphore(%run_scoped3A : memref<!tpu.dma_semaphore, #tpu.memory_space<semaphore_mem>>)
        %dma_wait3A = arith.constant 0 : i32
        %dma_wait3A_17 = tpu.memref_slice %arg6[%mul3A_0, %dma_wait3A] : memref<10240x128xf32, #tpu.memory_space<hbm>> -> memref<640x128xf32, #tpu.memory_space<hbm>>
        %dma_wait3A_18 = arith.constant 0 : i32
        %dma_wait3A_19 = tpu.memref_slice %arg10[%mul3A_0, %dma_wait3A_18] : memref<10240x128xf32, #tpu.memory_space<vmem_shared>> -> memref<640x128xf32, #tpu.memory_space<vmem_shared>>
        tpu.wait_dma2 semaphore(%run_scoped3A : memref<!tpu.dma_semaphore, #tpu.memory_space<semaphore_mem>>) src(%dma_wait3A_19 : memref<640x128xf32, #tpu.memory_space<vmem_shared>>) dst(%dma_wait3A_17 : memref<640x128xf32, #tpu.memory_space<hbm>>)
        tpu.yield
      }) : () -> ()
    } else {
    }
    %eq3A_3 = arith.constant 1 : i32
    %eq3A_4 = arith.cmpi eq, %arg0, %eq3A_3 : i32
    %convert_element_type3A_5 = arith.extui %eq3A_4 : i1 to i32
    %cond3A_6 = arith.constant 0 : i32
    %cond3A_7 = arith.cmpi ne, %convert_element_type3A_5, %cond3A_6 : i32
    scf.if %cond3A_7 {
      "tpu.region"() ({
        %run_scoped3A = tpu.sem_alloc : memref<!tpu.dma_semaphore, #tpu.memory_space<semaphore_mem>>
        %dma_start3A = arith.constant 0 : i32
        %dma_start3A_14 = tpu.memref_slice %arg10[%mul3A_0, %dma_start3A] : memref<10240x128xf32, #tpu.memory_space<vmem_shared>> -> memref<640x128xf32, #tpu.memory_space<vmem_shared>>
        %dma_start3A_15 = arith.constant 0 : i32
        %dma_start3A_16 = tpu.memref_slice %arg4[%mul3A_0, %dma_start3A_15] : memref<10240x128xf32, #tpu.memory_space<hbm>> -> memref<640x128xf32, #tpu.memory_space<hbm>>
        tpu.enqueue_dma source(%dma_start3A_16 : memref<640x128xf32, #tpu.memory_space<hbm>>) target(%dma_start3A_14 : memref<640x128xf32, #tpu.memory_space<vmem_shared>>) target_semaphore(%run_scoped3A : memref<!tpu.dma_semaphore, #tpu.memory_space<semaphore_mem>>)
        %dma_wait3A = arith.constant 0 : i32
        %dma_wait3A_17 = tpu.memref_slice %arg10[%mul3A_0, %dma_wait3A] : memref<10240x128xf32, #tpu.memory_space<vmem_shared>> -> memref<640x128xf32, #tpu.memory_space<vmem_shared>>
        %dma_wait3A_18 = arith.constant 0 : i32
        %dma_wait3A_19 = tpu.memref_slice %arg4[%mul3A_0, %dma_wait3A_18] : memref<10240x128xf32, #tpu.memory_space<hbm>> -> memref<640x128xf32, #tpu.memory_space<hbm>>
        tpu.wait_dma2 semaphore(%run_scoped3A : memref<!tpu.dma_semaphore, #tpu.memory_space<semaphore_mem>>) src(%dma_wait3A_19 : memref<640x128xf32, #tpu.memory_space<hbm>>) dst(%dma_wait3A_17 : memref<640x128xf32, #tpu.memory_space<vmem_shared>>)
        tpu.yield
      }) : () -> ()
      "tpu.region"() ({
        %run_scoped3A = tpu.sem_alloc : memref<!tpu.dma_semaphore, #tpu.memory_space<semaphore_mem>>
        tpu.enqueue_dma source(%arg5 : memref<128x128xf32, #tpu.memory_space<hbm>>) target(%arg9 : memref<128x128xf32, #tpu.memory_space<vmem>>) target_semaphore(%run_scoped3A : memref<!tpu.dma_semaphore, #tpu.memory_space<semaphore_mem>>)
        tpu.wait_dma2 semaphore(%run_scoped3A : memref<!tpu.dma_semaphore, #tpu.memory_space<semaphore_mem>>) src(%arg5 : memref<128x128xf32, #tpu.memory_space<hbm>>) dst(%arg9 : memref<128x128xf32, #tpu.memory_space<vmem>>)
        tpu.yield
      }) : () -> ()
      %barrier3A = arith.constant 0 : index
      tpu.barrier barrier_id(%barrier3A)
      %scan3A = arith.constant 0 : i32
      %scan3A_8 = arith.constant 0 : i32
      %scan3A_9 = arith.constant 5 : i32
      %scan3A_10 = arith.addi %scan3A_8, %scan3A_9 : i32
      %scan3A_11 = arith.constant 1 : i32
      scf.for %scan3A_14 = %scan3A_8 to %scan3A_10 step %scan3A_11  : i32 {
        %mul3A_15 = arith.constant 160 : i32
        %mul3A_16 = arith.muli %arg1, %mul3A_15 : i32
        %mul3A_17 = arith.constant 32 : i32
        %mul3A_18 = arith.muli %scan3A_14, %mul3A_17 : i32
        %add3A = arith.addi %mul3A_16, %mul3A_18 : i32
        "tpu.region"() ({
          %run_scoped3A = tpu.sem_alloc : memref<!tpu.dma_semaphore, #tpu.memory_space<semaphore_mem>>
          %dma_start3A = arith.constant 0 : i32
          %dma_start3A_25 = tpu.memref_slice %arg3[%add3A, %dma_start3A] : memref<2560x128xi32, #tpu.memory_space<hbm>> -> memref<32x128xi32, #tpu.memory_space<hbm>>
          %dma_start3A_26 = arith.constant 0 : i32
          %dma_start3A_27 = tpu.memref_slice %arg3[%add3A, %dma_start3A_26] : memref<2560x128xi32, #tpu.memory_space<hbm>> -> memref<32x128xi32, #tpu.memory_space<hbm>>
          tpu.enqueue_dma source(%dma_start3A_27 : memref<32x128xi32, #tpu.memory_space<hbm>>) target(%arg8 : memref<32x128xi32, #tpu.memory_space<vmem>>) target_semaphore(%run_scoped3A : memref<!tpu.dma_semaphore, #tpu.memory_space<semaphore_mem>>)
          %dma_wait3A = arith.constant 0 : i32
          %dma_wait3A_28 = tpu.memref_slice %arg3[%add3A, %dma_wait3A] : memref<2560x128xi32, #tpu.memory_space<hbm>> -> memref<32x128xi32, #tpu.memory_space<hbm>>
          %dma_wait3A_29 = arith.constant 0 : i32
          %dma_wait3A_30 = tpu.memref_slice %arg3[%add3A, %dma_wait3A_29] : memref<2560x128xi32, #tpu.memory_space<hbm>> -> memref<32x128xi32, #tpu.memory_space<hbm>>
          tpu.wait_dma2 semaphore(%run_scoped3A : memref<!tpu.dma_semaphore, #tpu.memory_space<semaphore_mem>>) src(%dma_wait3A_30 : memref<32x128xi32, #tpu.memory_space<hbm>>) dst(%arg8 : memref<32x128xi32, #tpu.memory_space<vmem>>)
          tpu.yield
        }) : () -> ()
        %scan3A_19 = arith.constant 0 : i32
        %scan3A_20 = arith.constant 0 : i32
        %scan3A_21 = arith.constant 32 : i32
        %scan3A_22 = arith.addi %scan3A_20, %scan3A_21 : i32
        %scan3A_23 = arith.constant 1 : i32
        scf.for %scan3A_25 = %scan3A_20 to %scan3A_22 step %scan3A_23  : i32 {
          "tpu.region"() ({
            %run_scoped3A = tpu.sem_alloc : memref<!tpu.dma_semaphore, #tpu.memory_space<semaphore_mem>>
            %dma_start3A = arith.constant 0 : i32
            %dma_start3A_26 = tpu.memref_slice %arg8[%scan3A_25, %dma_start3A] : memref<32x128xi32, #tpu.memory_space<vmem>> -> memref<1x128xi32, #tpu.memory_space<vmem>>
            %dma_start3A_27 = tpu.memref_squeeze %dma_start3A_26 : memref<1x128xi32, #tpu.memory_space<vmem>> -> memref<128xi32, #tpu.memory_space<vmem>>
            %dma_start3A_28 = arith.constant 0 : i32
            %dma_start3A_29 = arith.constant 0 : i32
            %dma_start3A_30 = tpu.memref_slice %arg10[%dma_start3A_28, %dma_start3A_29] : memref<10240x128xf32, #tpu.memory_space<vmem_shared>> -> memref<10240x128xf32, #tpu.memory_space<vmem_shared>>
            tpu.enqueue_indirect_dma source(%arg9 : memref<128x128xf32, #tpu.memory_space<vmem>>) target(%dma_start3A_30 : memref<10240x128xf32, #tpu.memory_space<vmem_shared>>) offsets(%dma_start3A_27 : memref<128xi32, #tpu.memory_space<vmem>>) semaphore(%run_scoped3A : memref<!tpu.dma_semaphore, #tpu.memory_space<semaphore_mem>>) {add = true}
            %dma_wait3A = arith.constant 0 : i32
            %dma_wait3A_31 = tpu.memref_slice %arg8[%scan3A_25, %dma_wait3A] : memref<32x128xi32, #tpu.memory_space<vmem>> -> memref<1x128xi32, #tpu.memory_space<vmem>>
            %dma_wait3A_32 = tpu.memref_squeeze %dma_wait3A_31 : memref<1x128xi32, #tpu.memory_space<vmem>> -> memref<128xi32, #tpu.memory_space<vmem>>
            %dma_wait3A_33 = arith.constant 0 : i32
            %dma_wait3A_34 = arith.constant 0 : i32
            %dma_wait3A_35 = tpu.memref_slice %arg10[%dma_wait3A_33, %dma_wait3A_34] : memref<10240x128xf32, #tpu.memory_space<vmem_shared>> -> memref<10240x128xf32, #tpu.memory_space<vmem_shared>>
            tpu.wait_indirect_dma semaphore(%run_scoped3A : memref<!tpu.dma_semaphore, #tpu.memory_space<semaphore_mem>>) src(%arg9 : memref<128x128xf32, #tpu.memory_space<vmem>>) dst(%dma_wait3A_35 : memref<10240x128xf32, #tpu.memory_space<vmem_shared>>)
            tpu.yield
          }) : () -> ()
        }
        %scan3A_24 = arith.constant 32 : i32
      }
      %scan3A_12 = arith.constant 5 : i32
      %barrier3A_13 = arith.constant 0 : index
      tpu.barrier barrier_id(%barrier3A_13)
      "tpu.region"() ({
        %run_scoped3A = tpu.sem_alloc : memref<!tpu.dma_semaphore, #tpu.memory_space<semaphore_mem>>
        %dma_start3A = arith.constant 0 : i32
        %dma_start3A_14 = tpu.memref_slice %arg7[%mul3A_0, %dma_start3A] : memref<10240x128xf32, #tpu.memory_space<hbm>> -> memref<640x128xf32, #tpu.memory_space<hbm>>
        %dma_start3A_15 = arith.constant 0 : i32
        %dma_start3A_16 = tpu.memref_slice %arg10[%mul3A_0, %dma_start3A_15] : memref<10240x128xf32, #tpu.memory_space<vmem_shared>> -> memref<640x128xf32, #tpu.memory_space<vmem_shared>>
        tpu.enqueue_dma source(%dma_start3A_16 : memref<640x128xf32, #tpu.memory_space<vmem_shared>>) target(%dma_start3A_14 : memref<640x128xf32, #tpu.memory_space<hbm>>) target_semaphore(%run_scoped3A : memref<!tpu.dma_semaphore, #tpu.memory_space<semaphore_mem>>)
        %dma_wait3A = arith.constant 0 : i32
        %dma_wait3A_17 = tpu.memref_slice %arg7[%mul3A_0, %dma_wait3A] : memref<10240x128xf32, #tpu.memory_space<hbm>> -> memref<640x128xf32, #tpu.memory_space<hbm>>
        %dma_wait3A_18 = arith.constant 0 : i32
        %dma_wait3A_19 = tpu.memref_slice %arg10[%mul3A_0, %dma_wait3A_18] : memref<10240x128xf32, #tpu.memory_space<vmem_shared>> -> memref<640x128xf32, #tpu.memory_space<vmem_shared>>
        tpu.wait_dma2 semaphore(%run_scoped3A : memref<!tpu.dma_semaphore, #tpu.memory_space<semaphore_mem>>) src(%dma_wait3A_19 : memref<640x128xf32, #tpu.memory_space<vmem_shared>>) dst(%dma_wait3A_17 : memref<640x128xf32, #tpu.memory_space<hbm>>)
        tpu.yield
      }) : () -> ()
    } else {
    }
    return
  }
}

#map = affine_map<(d0, d1) -> (0, 0)>
module attributes {stable_mosaic.version = 14 : i64} {
  func.func @sc_segment_sum(%arg0: i32, %arg1: i32, %arg2: memref<10000x128xf32, #tpu.memory_space<hbm>>, %arg3: memref<10000x128xf32, #tpu.memory_space<hbm>>, %arg4: memref<2560x128xi32, #tpu.memory_space<hbm>>, %arg5: memref<2560x128xi32, #tpu.memory_space<hbm>>, %arg6: memref<2560x128xi32, #tpu.memory_space<hbm>>, %arg7: memref<2560x128xi32, #tpu.memory_space<hbm>>, %arg8: memref<10240x128xf32, #tpu.memory_space<hbm>>, %arg9: memref<10240x128xf32, #tpu.memory_space<hbm>>, %arg10: memref<10240x128xf32, #tpu.memory_space<hbm>>, %arg11: memref<32x128xi32, #tpu.memory_space<vmem>>, %arg12: memref<32x128xi32, #tpu.memory_space<vmem>>, %arg13: memref<128x128xf32, #tpu.memory_space<vmem>>, %arg14: memref<10240x128xf32, #tpu.memory_space<vmem_shared>>, %arg15: memref<!tpu.dma_semaphore, #tpu.memory_space<semaphore_mem>>) attributes {dimension_semantics = [#tpu.dimension_semantics<core_parallel>, #tpu.dimension_semantics<subcore_parallel>], iteration_bounds = array<i64: 2, 16>, scalar_prefetch = 0 : i64, scratch_operands = 5 : i64, tpu.core_type = #tpu.core_type<sc_vector_subcore>, window_params = [{transform_indices = #map}, {transform_indices = #map}, {transform_indices = #map}, {transform_indices = #map}, {transform_indices = #map}, {transform_indices = #map}, {transform_indices = #map}, {transform_indices = #map}, {transform_indices = #map}]} {
    %mul3A = arith.constant 640 : i32
    %mul3A_0 = arith.muli %arg1, %mul3A : i32
    %eq3A = arith.constant 0 : i32
    %eq3A_1 = arith.cmpi eq, %arg0, %eq3A : i32
    %convert_element_type3A = arith.extui %eq3A_1 : i1 to i32
    %cond3A = arith.constant 0 : i32
    %cond3A_2 = arith.cmpi ne, %convert_element_type3A, %cond3A : i32
    scf.if %cond3A_2 {
      "tpu.region"() ({
        %run_scoped3A = tpu.sem_alloc : memref<!tpu.dma_semaphore, #tpu.memory_space<semaphore_mem>>
        %dma_start3A = arith.constant 0 : i32
        %dma_start3A_14 = tpu.memref_slice %arg14[%mul3A_0, %dma_start3A] : memref<10240x128xf32, #tpu.memory_space<vmem_shared>> -> memref<640x128xf32, #tpu.memory_space<vmem_shared>>
        %dma_start3A_15 = arith.constant 0 : i32
        %dma_start3A_16 = tpu.memref_slice %arg8[%mul3A_0, %dma_start3A_15] : memref<10240x128xf32, #tpu.memory_space<hbm>> -> memref<640x128xf32, #tpu.memory_space<hbm>>
        tpu.enqueue_dma source(%dma_start3A_16 : memref<640x128xf32, #tpu.memory_space<hbm>>) target(%dma_start3A_14 : memref<640x128xf32, #tpu.memory_space<vmem_shared>>) target_semaphore(%run_scoped3A : memref<!tpu.dma_semaphore, #tpu.memory_space<semaphore_mem>>)
        %dma_wait3A = arith.constant 0 : i32
        %dma_wait3A_17 = tpu.memref_slice %arg14[%mul3A_0, %dma_wait3A] : memref<10240x128xf32, #tpu.memory_space<vmem_shared>> -> memref<640x128xf32, #tpu.memory_space<vmem_shared>>
        %dma_wait3A_18 = arith.constant 0 : i32
        %dma_wait3A_19 = tpu.memref_slice %arg8[%mul3A_0, %dma_wait3A_18] : memref<10240x128xf32, #tpu.memory_space<hbm>> -> memref<640x128xf32, #tpu.memory_space<hbm>>
        tpu.wait_dma2 semaphore(%run_scoped3A : memref<!tpu.dma_semaphore, #tpu.memory_space<semaphore_mem>>) src(%dma_wait3A_19 : memref<640x128xf32, #tpu.memory_space<hbm>>) dst(%dma_wait3A_17 : memref<640x128xf32, #tpu.memory_space<vmem_shared>>)
        tpu.yield
      }) : () -> ()
      %barrier3A = arith.constant 0 : index
      tpu.barrier barrier_id(%barrier3A)
      %scan3A = arith.constant 0 : i32
      %scan3A_8 = arith.constant 0 : i32
      %scan3A_9 = arith.constant 5 : i32
      %scan3A_10 = arith.addi %scan3A_8, %scan3A_9 : i32
      %scan3A_11 = arith.constant 1 : i32
      scf.for %scan3A_14 = %scan3A_8 to %scan3A_10 step %scan3A_11  : i32 {
        %mul3A_15 = arith.constant 160 : i32
        %mul3A_16 = arith.muli %arg1, %mul3A_15 : i32
        %mul3A_17 = arith.constant 32 : i32
        %mul3A_18 = arith.muli %scan3A_14, %mul3A_17 : i32
        %add3A = arith.addi %mul3A_16, %mul3A_18 : i32
        "tpu.region"() ({
          %run_scoped3A = tpu.sem_alloc : memref<!tpu.dma_semaphore, #tpu.memory_space<semaphore_mem>>
          %dma_start3A = arith.constant 0 : i32
          %dma_start3A_25 = tpu.memref_slice %arg4[%add3A, %dma_start3A] : memref<2560x128xi32, #tpu.memory_space<hbm>> -> memref<32x128xi32, #tpu.memory_space<hbm>>
          %dma_start3A_26 = arith.constant 0 : i32
          %dma_start3A_27 = tpu.memref_slice %arg4[%add3A, %dma_start3A_26] : memref<2560x128xi32, #tpu.memory_space<hbm>> -> memref<32x128xi32, #tpu.memory_space<hbm>>
          tpu.enqueue_dma source(%dma_start3A_27 : memref<32x128xi32, #tpu.memory_space<hbm>>) target(%arg11 : memref<32x128xi32, #tpu.memory_space<vmem>>) target_semaphore(%run_scoped3A : memref<!tpu.dma_semaphore, #tpu.memory_space<semaphore_mem>>)
          %dma_wait3A = arith.constant 0 : i32
          %dma_wait3A_28 = tpu.memref_slice %arg4[%add3A, %dma_wait3A] : memref<2560x128xi32, #tpu.memory_space<hbm>> -> memref<32x128xi32, #tpu.memory_space<hbm>>
          %dma_wait3A_29 = arith.constant 0 : i32
          %dma_wait3A_30 = tpu.memref_slice %arg4[%add3A, %dma_wait3A_29] : memref<2560x128xi32, #tpu.memory_space<hbm>> -> memref<32x128xi32, #tpu.memory_space<hbm>>
          tpu.wait_dma2 semaphore(%run_scoped3A : memref<!tpu.dma_semaphore, #tpu.memory_space<semaphore_mem>>) src(%dma_wait3A_30 : memref<32x128xi32, #tpu.memory_space<hbm>>) dst(%arg11 : memref<32x128xi32, #tpu.memory_space<vmem>>)
          tpu.yield
        }) : () -> ()
        "tpu.region"() ({
          %run_scoped3A = tpu.sem_alloc : memref<!tpu.dma_semaphore, #tpu.memory_space<semaphore_mem>>
          %dma_start3A = arith.constant 0 : i32
          %dma_start3A_25 = tpu.memref_slice %arg5[%add3A, %dma_start3A] : memref<2560x128xi32, #tpu.memory_space<hbm>> -> memref<32x128xi32, #tpu.memory_space<hbm>>
          %dma_start3A_26 = arith.constant 0 : i32
          %dma_start3A_27 = tpu.memref_slice %arg5[%add3A, %dma_start3A_26] : memref<2560x128xi32, #tpu.memory_space<hbm>> -> memref<32x128xi32, #tpu.memory_space<hbm>>
          tpu.enqueue_dma source(%dma_start3A_27 : memref<32x128xi32, #tpu.memory_space<hbm>>) target(%arg12 : memref<32x128xi32, #tpu.memory_space<vmem>>) target_semaphore(%run_scoped3A : memref<!tpu.dma_semaphore, #tpu.memory_space<semaphore_mem>>)
          %dma_wait3A = arith.constant 0 : i32
          %dma_wait3A_28 = tpu.memref_slice %arg5[%add3A, %dma_wait3A] : memref<2560x128xi32, #tpu.memory_space<hbm>> -> memref<32x128xi32, #tpu.memory_space<hbm>>
          %dma_wait3A_29 = arith.constant 0 : i32
          %dma_wait3A_30 = tpu.memref_slice %arg5[%add3A, %dma_wait3A_29] : memref<2560x128xi32, #tpu.memory_space<hbm>> -> memref<32x128xi32, #tpu.memory_space<hbm>>
          tpu.wait_dma2 semaphore(%run_scoped3A : memref<!tpu.dma_semaphore, #tpu.memory_space<semaphore_mem>>) src(%dma_wait3A_30 : memref<32x128xi32, #tpu.memory_space<hbm>>) dst(%arg12 : memref<32x128xi32, #tpu.memory_space<vmem>>)
          tpu.yield
        }) : () -> ()
        %scan3A_19 = arith.constant 0 : i32
        %scan3A_20 = arith.constant 0 : i32
        %scan3A_21 = arith.constant 32 : i32
        %scan3A_22 = arith.addi %scan3A_20, %scan3A_21 : i32
        %scan3A_23 = arith.constant 1 : i32
        scf.for %scan3A_25 = %scan3A_20 to %scan3A_22 step %scan3A_23  : i32 {
          %dma_start3A = arith.constant 0 : i32
          %dma_start3A_26 = tpu.memref_slice %arg11[%scan3A_25, %dma_start3A] : memref<32x128xi32, #tpu.memory_space<vmem>> -> memref<1x128xi32, #tpu.memory_space<vmem>>
          %dma_start3A_27 = tpu.memref_squeeze %dma_start3A_26 : memref<1x128xi32, #tpu.memory_space<vmem>> -> memref<128xi32, #tpu.memory_space<vmem>>
          %dma_start3A_28 = arith.constant 0 : i32
          %dma_start3A_29 = arith.constant 0 : i32
          %dma_start3A_30 = tpu.memref_slice %arg2[%dma_start3A_28, %dma_start3A_29] : memref<10000x128xf32, #tpu.memory_space<hbm>> -> memref<10000x128xf32, #tpu.memory_space<hbm>>
          tpu.enqueue_indirect_dma source(%dma_start3A_30 : memref<10000x128xf32, #tpu.memory_space<hbm>>) target(%arg13 : memref<128x128xf32, #tpu.memory_space<vmem>>) offsets(%dma_start3A_27 : memref<128xi32, #tpu.memory_space<vmem>>) semaphore(%arg15 : memref<!tpu.dma_semaphore, #tpu.memory_space<semaphore_mem>>)
          %dma_wait3A = arith.constant 0 : i32
          %dma_wait3A_31 = tpu.memref_slice %arg11[%scan3A_25, %dma_wait3A] : memref<32x128xi32, #tpu.memory_space<vmem>> -> memref<1x128xi32, #tpu.memory_space<vmem>>
          %dma_wait3A_32 = tpu.memref_squeeze %dma_wait3A_31 : memref<1x128xi32, #tpu.memory_space<vmem>> -> memref<128xi32, #tpu.memory_space<vmem>>
          %dma_wait3A_33 = arith.constant 0 : i32
          %dma_wait3A_34 = arith.constant 0 : i32
          %dma_wait3A_35 = tpu.memref_slice %arg2[%dma_wait3A_33, %dma_wait3A_34] : memref<10000x128xf32, #tpu.memory_space<hbm>> -> memref<10000x128xf32, #tpu.memory_space<hbm>>
          tpu.wait_indirect_dma semaphore(%arg15 : memref<!tpu.dma_semaphore, #tpu.memory_space<semaphore_mem>>) src(%dma_wait3A_35 : memref<10000x128xf32, #tpu.memory_space<hbm>>) dst(%arg13 : memref<128x128xf32, #tpu.memory_space<vmem>>)
          "tpu.region"() ({
            %run_scoped3A = tpu.sem_alloc : memref<!tpu.dma_semaphore, #tpu.memory_space<semaphore_mem>>
            %dma_start3A_36 = arith.constant 0 : i32
            %dma_start3A_37 = tpu.memref_slice %arg12[%scan3A_25, %dma_start3A_36] : memref<32x128xi32, #tpu.memory_space<vmem>> -> memref<1x128xi32, #tpu.memory_space<vmem>>
            %dma_start3A_38 = tpu.memref_squeeze %dma_start3A_37 : memref<1x128xi32, #tpu.memory_space<vmem>> -> memref<128xi32, #tpu.memory_space<vmem>>
            %dma_start3A_39 = arith.constant 0 : i32
            %dma_start3A_40 = arith.constant 0 : i32
            %dma_start3A_41 = tpu.memref_slice %arg14[%dma_start3A_39, %dma_start3A_40] : memref<10240x128xf32, #tpu.memory_space<vmem_shared>> -> memref<10240x128xf32, #tpu.memory_space<vmem_shared>>
            tpu.enqueue_indirect_dma source(%arg13 : memref<128x128xf32, #tpu.memory_space<vmem>>) target(%dma_start3A_41 : memref<10240x128xf32, #tpu.memory_space<vmem_shared>>) offsets(%dma_start3A_38 : memref<128xi32, #tpu.memory_space<vmem>>) semaphore(%run_scoped3A : memref<!tpu.dma_semaphore, #tpu.memory_space<semaphore_mem>>) {add = true}
            %dma_wait3A_42 = arith.constant 0 : i32
            %dma_wait3A_43 = tpu.memref_slice %arg12[%scan3A_25, %dma_wait3A_42] : memref<32x128xi32, #tpu.memory_space<vmem>> -> memref<1x128xi32, #tpu.memory_space<vmem>>
            %dma_wait3A_44 = tpu.memref_squeeze %dma_wait3A_43 : memref<1x128xi32, #tpu.memory_space<vmem>> -> memref<128xi32, #tpu.memory_space<vmem>>
            %dma_wait3A_45 = arith.constant 0 : i32
            %dma_wait3A_46 = arith.constant 0 : i32
            %dma_wait3A_47 = tpu.memref_slice %arg14[%dma_wait3A_45, %dma_wait3A_46] : memref<10240x128xf32, #tpu.memory_space<vmem_shared>> -> memref<10240x128xf32, #tpu.memory_space<vmem_shared>>
            tpu.wait_indirect_dma semaphore(%run_scoped3A : memref<!tpu.dma_semaphore, #tpu.memory_space<semaphore_mem>>) src(%arg13 : memref<128x128xf32, #tpu.memory_space<vmem>>) dst(%dma_wait3A_47 : memref<10240x128xf32, #tpu.memory_space<vmem_shared>>)
            tpu.yield
          }) : () -> ()
        }
        %scan3A_24 = arith.constant 32 : i32
      }
      %scan3A_12 = arith.constant 5 : i32
      %barrier3A_13 = arith.constant 0 : index
      tpu.barrier barrier_id(%barrier3A_13)
      "tpu.region"() ({
        %run_scoped3A = tpu.sem_alloc : memref<!tpu.dma_semaphore, #tpu.memory_space<semaphore_mem>>
        %dma_start3A = arith.constant 0 : i32
        %dma_start3A_14 = tpu.memref_slice %arg9[%mul3A_0, %dma_start3A] : memref<10240x128xf32, #tpu.memory_space<hbm>> -> memref<640x128xf32, #tpu.memory_space<hbm>>
        %dma_start3A_15 = arith.constant 0 : i32
        %dma_start3A_16 = tpu.memref_slice %arg14[%mul3A_0, %dma_start3A_15] : memref<10240x128xf32, #tpu.memory_space<vmem_shared>> -> memref<640x128xf32, #tpu.memory_space<vmem_shared>>
        tpu.enqueue_dma source(%dma_start3A_16 : memref<640x128xf32, #tpu.memory_space<vmem_shared>>) target(%dma_start3A_14 : memref<640x128xf32, #tpu.memory_space<hbm>>) target_semaphore(%run_scoped3A : memref<!tpu.dma_semaphore, #tpu.memory_space<semaphore_mem>>)
        %dma_wait3A = arith.constant 0 : i32
        %dma_wait3A_17 = tpu.memref_slice %arg9[%mul3A_0, %dma_wait3A] : memref<10240x128xf32, #tpu.memory_space<hbm>> -> memref<640x128xf32, #tpu.memory_space<hbm>>
        %dma_wait3A_18 = arith.constant 0 : i32
        %dma_wait3A_19 = tpu.memref_slice %arg14[%mul3A_0, %dma_wait3A_18] : memref<10240x128xf32, #tpu.memory_space<vmem_shared>> -> memref<640x128xf32, #tpu.memory_space<vmem_shared>>
        tpu.wait_dma2 semaphore(%run_scoped3A : memref<!tpu.dma_semaphore, #tpu.memory_space<semaphore_mem>>) src(%dma_wait3A_19 : memref<640x128xf32, #tpu.memory_space<vmem_shared>>) dst(%dma_wait3A_17 : memref<640x128xf32, #tpu.memory_space<hbm>>)
        tpu.yield
      }) : () -> ()
    } else {
    }
    %eq3A_3 = arith.constant 1 : i32
    %eq3A_4 = arith.cmpi eq, %arg0, %eq3A_3 : i32
    %convert_element_type3A_5 = arith.extui %eq3A_4 : i1 to i32
    %cond3A_6 = arith.constant 0 : i32
    %cond3A_7 = arith.cmpi ne, %convert_element_type3A_5, %cond3A_6 : i32
    scf.if %cond3A_7 {
      "tpu.region"() ({
        %run_scoped3A = tpu.sem_alloc : memref<!tpu.dma_semaphore, #tpu.memory_space<semaphore_mem>>
        %dma_start3A = arith.constant 0 : i32
        %dma_start3A_14 = tpu.memref_slice %arg14[%mul3A_0, %dma_start3A] : memref<10240x128xf32, #tpu.memory_space<vmem_shared>> -> memref<640x128xf32, #tpu.memory_space<vmem_shared>>
        %dma_start3A_15 = arith.constant 0 : i32
        %dma_start3A_16 = tpu.memref_slice %arg8[%mul3A_0, %dma_start3A_15] : memref<10240x128xf32, #tpu.memory_space<hbm>> -> memref<640x128xf32, #tpu.memory_space<hbm>>
        tpu.enqueue_dma source(%dma_start3A_16 : memref<640x128xf32, #tpu.memory_space<hbm>>) target(%dma_start3A_14 : memref<640x128xf32, #tpu.memory_space<vmem_shared>>) target_semaphore(%run_scoped3A : memref<!tpu.dma_semaphore, #tpu.memory_space<semaphore_mem>>)
        %dma_wait3A = arith.constant 0 : i32
        %dma_wait3A_17 = tpu.memref_slice %arg14[%mul3A_0, %dma_wait3A] : memref<10240x128xf32, #tpu.memory_space<vmem_shared>> -> memref<640x128xf32, #tpu.memory_space<vmem_shared>>
        %dma_wait3A_18 = arith.constant 0 : i32
        %dma_wait3A_19 = tpu.memref_slice %arg8[%mul3A_0, %dma_wait3A_18] : memref<10240x128xf32, #tpu.memory_space<hbm>> -> memref<640x128xf32, #tpu.memory_space<hbm>>
        tpu.wait_dma2 semaphore(%run_scoped3A : memref<!tpu.dma_semaphore, #tpu.memory_space<semaphore_mem>>) src(%dma_wait3A_19 : memref<640x128xf32, #tpu.memory_space<hbm>>) dst(%dma_wait3A_17 : memref<640x128xf32, #tpu.memory_space<vmem_shared>>)
        tpu.yield
      }) : () -> ()
      %barrier3A = arith.constant 0 : index
      tpu.barrier barrier_id(%barrier3A)
      %scan3A = arith.constant 0 : i32
      %scan3A_8 = arith.constant 0 : i32
      %scan3A_9 = arith.constant 5 : i32
      %scan3A_10 = arith.addi %scan3A_8, %scan3A_9 : i32
      %scan3A_11 = arith.constant 1 : i32
      scf.for %scan3A_14 = %scan3A_8 to %scan3A_10 step %scan3A_11  : i32 {
        %mul3A_15 = arith.constant 160 : i32
        %mul3A_16 = arith.muli %arg1, %mul3A_15 : i32
        %mul3A_17 = arith.constant 32 : i32
        %mul3A_18 = arith.muli %scan3A_14, %mul3A_17 : i32
        %add3A = arith.addi %mul3A_16, %mul3A_18 : i32
        "tpu.region"() ({
          %run_scoped3A = tpu.sem_alloc : memref<!tpu.dma_semaphore, #tpu.memory_space<semaphore_mem>>
          %dma_start3A = arith.constant 0 : i32
          %dma_start3A_25 = tpu.memref_slice %arg6[%add3A, %dma_start3A] : memref<2560x128xi32, #tpu.memory_space<hbm>> -> memref<32x128xi32, #tpu.memory_space<hbm>>
          %dma_start3A_26 = arith.constant 0 : i32
          %dma_start3A_27 = tpu.memref_slice %arg6[%add3A, %dma_start3A_26] : memref<2560x128xi32, #tpu.memory_space<hbm>> -> memref<32x128xi32, #tpu.memory_space<hbm>>
          tpu.enqueue_dma source(%dma_start3A_27 : memref<32x128xi32, #tpu.memory_space<hbm>>) target(%arg11 : memref<32x128xi32, #tpu.memory_space<vmem>>) target_semaphore(%run_scoped3A : memref<!tpu.dma_semaphore, #tpu.memory_space<semaphore_mem>>)
          %dma_wait3A = arith.constant 0 : i32
          %dma_wait3A_28 = tpu.memref_slice %arg6[%add3A, %dma_wait3A] : memref<2560x128xi32, #tpu.memory_space<hbm>> -> memref<32x128xi32, #tpu.memory_space<hbm>>
          %dma_wait3A_29 = arith.constant 0 : i32
          %dma_wait3A_30 = tpu.memref_slice %arg6[%add3A, %dma_wait3A_29] : memref<2560x128xi32, #tpu.memory_space<hbm>> -> memref<32x128xi32, #tpu.memory_space<hbm>>
          tpu.wait_dma2 semaphore(%run_scoped3A : memref<!tpu.dma_semaphore, #tpu.memory_space<semaphore_mem>>) src(%dma_wait3A_30 : memref<32x128xi32, #tpu.memory_space<hbm>>) dst(%arg11 : memref<32x128xi32, #tpu.memory_space<vmem>>)
          tpu.yield
        }) : () -> ()
        "tpu.region"() ({
          %run_scoped3A = tpu.sem_alloc : memref<!tpu.dma_semaphore, #tpu.memory_space<semaphore_mem>>
          %dma_start3A = arith.constant 0 : i32
          %dma_start3A_25 = tpu.memref_slice %arg7[%add3A, %dma_start3A] : memref<2560x128xi32, #tpu.memory_space<hbm>> -> memref<32x128xi32, #tpu.memory_space<hbm>>
          %dma_start3A_26 = arith.constant 0 : i32
          %dma_start3A_27 = tpu.memref_slice %arg7[%add3A, %dma_start3A_26] : memref<2560x128xi32, #tpu.memory_space<hbm>> -> memref<32x128xi32, #tpu.memory_space<hbm>>
          tpu.enqueue_dma source(%dma_start3A_27 : memref<32x128xi32, #tpu.memory_space<hbm>>) target(%arg12 : memref<32x128xi32, #tpu.memory_space<vmem>>) target_semaphore(%run_scoped3A : memref<!tpu.dma_semaphore, #tpu.memory_space<semaphore_mem>>)
          %dma_wait3A = arith.constant 0 : i32
          %dma_wait3A_28 = tpu.memref_slice %arg7[%add3A, %dma_wait3A] : memref<2560x128xi32, #tpu.memory_space<hbm>> -> memref<32x128xi32, #tpu.memory_space<hbm>>
          %dma_wait3A_29 = arith.constant 0 : i32
          %dma_wait3A_30 = tpu.memref_slice %arg7[%add3A, %dma_wait3A_29] : memref<2560x128xi32, #tpu.memory_space<hbm>> -> memref<32x128xi32, #tpu.memory_space<hbm>>
          tpu.wait_dma2 semaphore(%run_scoped3A : memref<!tpu.dma_semaphore, #tpu.memory_space<semaphore_mem>>) src(%dma_wait3A_30 : memref<32x128xi32, #tpu.memory_space<hbm>>) dst(%arg12 : memref<32x128xi32, #tpu.memory_space<vmem>>)
          tpu.yield
        }) : () -> ()
        %scan3A_19 = arith.constant 0 : i32
        %scan3A_20 = arith.constant 0 : i32
        %scan3A_21 = arith.constant 32 : i32
        %scan3A_22 = arith.addi %scan3A_20, %scan3A_21 : i32
        %scan3A_23 = arith.constant 1 : i32
        scf.for %scan3A_25 = %scan3A_20 to %scan3A_22 step %scan3A_23  : i32 {
          %dma_start3A = arith.constant 0 : i32
          %dma_start3A_26 = tpu.memref_slice %arg11[%scan3A_25, %dma_start3A] : memref<32x128xi32, #tpu.memory_space<vmem>> -> memref<1x128xi32, #tpu.memory_space<vmem>>
          %dma_start3A_27 = tpu.memref_squeeze %dma_start3A_26 : memref<1x128xi32, #tpu.memory_space<vmem>> -> memref<128xi32, #tpu.memory_space<vmem>>
          %dma_start3A_28 = arith.constant 0 : i32
          %dma_start3A_29 = arith.constant 0 : i32
          %dma_start3A_30 = tpu.memref_slice %arg3[%dma_start3A_28, %dma_start3A_29] : memref<10000x128xf32, #tpu.memory_space<hbm>> -> memref<10000x128xf32, #tpu.memory_space<hbm>>
          tpu.enqueue_indirect_dma source(%dma_start3A_30 : memref<10000x128xf32, #tpu.memory_space<hbm>>) target(%arg13 : memref<128x128xf32, #tpu.memory_space<vmem>>) offsets(%dma_start3A_27 : memref<128xi32, #tpu.memory_space<vmem>>) semaphore(%arg15 : memref<!tpu.dma_semaphore, #tpu.memory_space<semaphore_mem>>)
          %dma_wait3A = arith.constant 0 : i32
          %dma_wait3A_31 = tpu.memref_slice %arg11[%scan3A_25, %dma_wait3A] : memref<32x128xi32, #tpu.memory_space<vmem>> -> memref<1x128xi32, #tpu.memory_space<vmem>>
          %dma_wait3A_32 = tpu.memref_squeeze %dma_wait3A_31 : memref<1x128xi32, #tpu.memory_space<vmem>> -> memref<128xi32, #tpu.memory_space<vmem>>
          %dma_wait3A_33 = arith.constant 0 : i32
          %dma_wait3A_34 = arith.constant 0 : i32
          %dma_wait3A_35 = tpu.memref_slice %arg3[%dma_wait3A_33, %dma_wait3A_34] : memref<10000x128xf32, #tpu.memory_space<hbm>> -> memref<10000x128xf32, #tpu.memory_space<hbm>>
          tpu.wait_indirect_dma semaphore(%arg15 : memref<!tpu.dma_semaphore, #tpu.memory_space<semaphore_mem>>) src(%dma_wait3A_35 : memref<10000x128xf32, #tpu.memory_space<hbm>>) dst(%arg13 : memref<128x128xf32, #tpu.memory_space<vmem>>)
          "tpu.region"() ({
            %run_scoped3A = tpu.sem_alloc : memref<!tpu.dma_semaphore, #tpu.memory_space<semaphore_mem>>
            %dma_start3A_36 = arith.constant 0 : i32
            %dma_start3A_37 = tpu.memref_slice %arg12[%scan3A_25, %dma_start3A_36] : memref<32x128xi32, #tpu.memory_space<vmem>> -> memref<1x128xi32, #tpu.memory_space<vmem>>
            %dma_start3A_38 = tpu.memref_squeeze %dma_start3A_37 : memref<1x128xi32, #tpu.memory_space<vmem>> -> memref<128xi32, #tpu.memory_space<vmem>>
            %dma_start3A_39 = arith.constant 0 : i32
            %dma_start3A_40 = arith.constant 0 : i32
            %dma_start3A_41 = tpu.memref_slice %arg14[%dma_start3A_39, %dma_start3A_40] : memref<10240x128xf32, #tpu.memory_space<vmem_shared>> -> memref<10240x128xf32, #tpu.memory_space<vmem_shared>>
            tpu.enqueue_indirect_dma source(%arg13 : memref<128x128xf32, #tpu.memory_space<vmem>>) target(%dma_start3A_41 : memref<10240x128xf32, #tpu.memory_space<vmem_shared>>) offsets(%dma_start3A_38 : memref<128xi32, #tpu.memory_space<vmem>>) semaphore(%run_scoped3A : memref<!tpu.dma_semaphore, #tpu.memory_space<semaphore_mem>>) {add = true}
            %dma_wait3A_42 = arith.constant 0 : i32
            %dma_wait3A_43 = tpu.memref_slice %arg12[%scan3A_25, %dma_wait3A_42] : memref<32x128xi32, #tpu.memory_space<vmem>> -> memref<1x128xi32, #tpu.memory_space<vmem>>
            %dma_wait3A_44 = tpu.memref_squeeze %dma_wait3A_43 : memref<1x128xi32, #tpu.memory_space<vmem>> -> memref<128xi32, #tpu.memory_space<vmem>>
            %dma_wait3A_45 = arith.constant 0 : i32
            %dma_wait3A_46 = arith.constant 0 : i32
            %dma_wait3A_47 = tpu.memref_slice %arg14[%dma_wait3A_45, %dma_wait3A_46] : memref<10240x128xf32, #tpu.memory_space<vmem_shared>> -> memref<10240x128xf32, #tpu.memory_space<vmem_shared>>
            tpu.wait_indirect_dma semaphore(%run_scoped3A : memref<!tpu.dma_semaphore, #tpu.memory_space<semaphore_mem>>) src(%arg13 : memref<128x128xf32, #tpu.memory_space<vmem>>) dst(%dma_wait3A_47 : memref<10240x128xf32, #tpu.memory_space<vmem_shared>>)
            tpu.yield
          }) : () -> ()
        }
        %scan3A_24 = arith.constant 32 : i32
      }
      %scan3A_12 = arith.constant 5 : i32
      %barrier3A_13 = arith.constant 0 : index
      tpu.barrier barrier_id(%barrier3A_13)
      "tpu.region"() ({
        %run_scoped3A = tpu.sem_alloc : memref<!tpu.dma_semaphore, #tpu.memory_space<semaphore_mem>>
        %dma_start3A = arith.constant 0 : i32
        %dma_start3A_14 = tpu.memref_slice %arg10[%mul3A_0, %dma_start3A] : memref<10240x128xf32, #tpu.memory_space<hbm>> -> memref<640x128xf32, #tpu.memory_space<hbm>>
        %dma_start3A_15 = arith.constant 0 : i32
        %dma_start3A_16 = tpu.memref_slice %arg14[%mul3A_0, %dma_start3A_15] : memref<10240x128xf32, #tpu.memory_space<vmem_shared>> -> memref<640x128xf32, #tpu.memory_space<vmem_shared>>
        tpu.enqueue_dma source(%dma_start3A_16 : memref<640x128xf32, #tpu.memory_space<vmem_shared>>) target(%dma_start3A_14 : memref<640x128xf32, #tpu.memory_space<hbm>>) target_semaphore(%run_scoped3A : memref<!tpu.dma_semaphore, #tpu.memory_space<semaphore_mem>>)
        %dma_wait3A = arith.constant 0 : i32
        %dma_wait3A_17 = tpu.memref_slice %arg10[%mul3A_0, %dma_wait3A] : memref<10240x128xf32, #tpu.memory_space<hbm>> -> memref<640x128xf32, #tpu.memory_space<hbm>>
        %dma_wait3A_18 = arith.constant 0 : i32
        %dma_wait3A_19 = tpu.memref_slice %arg14[%mul3A_0, %dma_wait3A_18] : memref<10240x128xf32, #tpu.memory_space<vmem_shared>> -> memref<640x128xf32, #tpu.memory_space<vmem_shared>>
        tpu.wait_dma2 semaphore(%run_scoped3A : memref<!tpu.dma_semaphore, #tpu.memory_space<semaphore_mem>>) src(%dma_wait3A_19 : memref<640x128xf32, #tpu.memory_space<vmem_shared>>) dst(%dma_wait3A_17 : memref<640x128xf32, #tpu.memory_space<hbm>>)
        tpu.yield
      }) : () -> ()
    } else {
    }
    return
  }
}

#map = affine_map<(d0, d1) -> (0, 0)>
module attributes {stable_mosaic.version = 14 : i64} {
  func.func @sc_segment_sum(%arg0: i32, %arg1: i32, %arg2: memref<10000x128xf32, #tpu.memory_space<hbm>>, %arg3: memref<10000x128xf32, #tpu.memory_space<hbm>>, %arg4: memref<2560x128xi32, #tpu.memory_space<hbm>>, %arg5: memref<2560x128xi32, #tpu.memory_space<hbm>>, %arg6: memref<2560x128xi32, #tpu.memory_space<hbm>>, %arg7: memref<2560x128xi32, #tpu.memory_space<hbm>>, %arg8: memref<10240x128xf32, #tpu.memory_space<hbm>>, %arg9: memref<10240x128xf32, #tpu.memory_space<hbm>>, %arg10: memref<10240x128xf32, #tpu.memory_space<hbm>>, %arg11: memref<32x128xi32, #tpu.memory_space<vmem>>, %arg12: memref<32x128xi32, #tpu.memory_space<vmem>>, %arg13: memref<128x128xf32, #tpu.memory_space<vmem>>, %arg14: memref<10240x128xf32, #tpu.memory_space<vmem_shared>>, %arg15: memref<!tpu.dma_semaphore, #tpu.memory_space<semaphore_mem>>) attributes {dimension_semantics = [#tpu.dimension_semantics<core_parallel>, #tpu.dimension_semantics<subcore_parallel>], iteration_bounds = array<i64: 2, 16>, scalar_prefetch = 0 : i64, scratch_operands = 5 : i64, tpu.core_type = #tpu.core_type<sc_vector_subcore>, window_params = [{transform_indices = #map}, {transform_indices = #map}, {transform_indices = #map}, {transform_indices = #map}, {transform_indices = #map}, {transform_indices = #map}, {transform_indices = #map}, {transform_indices = #map}, {transform_indices = #map}]} {
    %mul3A = arith.constant 640 : i32
    %mul3A_0 = arith.muli %arg1, %mul3A : i32
    %eq3A = arith.constant 0 : i32
    %eq3A_1 = arith.cmpi eq, %arg0, %eq3A : i32
    %convert_element_type3A = arith.extui %eq3A_1 : i1 to i32
    %cond3A = arith.constant 0 : i32
    %cond3A_2 = arith.cmpi ne, %convert_element_type3A, %cond3A : i32
    scf.if %cond3A_2 {
      "tpu.region"() ({
        %run_scoped3A = tpu.sem_alloc : memref<!tpu.dma_semaphore, #tpu.memory_space<semaphore_mem>>
        %dma_start3A = arith.constant 0 : i32
        %dma_start3A_14 = tpu.memref_slice %arg14[%mul3A_0, %dma_start3A] : memref<10240x128xf32, #tpu.memory_space<vmem_shared>> -> memref<640x128xf32, #tpu.memory_space<vmem_shared>>
        %dma_start3A_15 = arith.constant 0 : i32
        %dma_start3A_16 = tpu.memref_slice %arg8[%mul3A_0, %dma_start3A_15] : memref<10240x128xf32, #tpu.memory_space<hbm>> -> memref<640x128xf32, #tpu.memory_space<hbm>>
        tpu.enqueue_dma source(%dma_start3A_16 : memref<640x128xf32, #tpu.memory_space<hbm>>) target(%dma_start3A_14 : memref<640x128xf32, #tpu.memory_space<vmem_shared>>) target_semaphore(%run_scoped3A : memref<!tpu.dma_semaphore, #tpu.memory_space<semaphore_mem>>)
        %dma_wait3A = arith.constant 0 : i32
        %dma_wait3A_17 = tpu.memref_slice %arg14[%mul3A_0, %dma_wait3A] : memref<10240x128xf32, #tpu.memory_space<vmem_shared>> -> memref<640x128xf32, #tpu.memory_space<vmem_shared>>
        %dma_wait3A_18 = arith.constant 0 : i32
        %dma_wait3A_19 = tpu.memref_slice %arg8[%mul3A_0, %dma_wait3A_18] : memref<10240x128xf32, #tpu.memory_space<hbm>> -> memref<640x128xf32, #tpu.memory_space<hbm>>
        tpu.wait_dma2 semaphore(%run_scoped3A : memref<!tpu.dma_semaphore, #tpu.memory_space<semaphore_mem>>) src(%dma_wait3A_19 : memref<640x128xf32, #tpu.memory_space<hbm>>) dst(%dma_wait3A_17 : memref<640x128xf32, #tpu.memory_space<vmem_shared>>)
        tpu.yield
      }) : () -> ()
      %barrier3A = arith.constant 0 : index
      tpu.barrier barrier_id(%barrier3A)
      %scan3A = arith.constant 0 : i32
      %scan3A_8 = arith.constant 0 : i32
      %scan3A_9 = arith.constant 5 : i32
      %scan3A_10 = arith.addi %scan3A_8, %scan3A_9 : i32
      %scan3A_11 = arith.constant 1 : i32
      scf.for %scan3A_14 = %scan3A_8 to %scan3A_10 step %scan3A_11  : i32 {
        %mul3A_15 = arith.constant 160 : i32
        %mul3A_16 = arith.muli %arg1, %mul3A_15 : i32
        %mul3A_17 = arith.constant 32 : i32
        %mul3A_18 = arith.muli %scan3A_14, %mul3A_17 : i32
        %add3A = arith.addi %mul3A_16, %mul3A_18 : i32
        "tpu.region"() ({
          %run_scoped3A = tpu.sem_alloc : memref<!tpu.dma_semaphore, #tpu.memory_space<semaphore_mem>>
          %dma_start3A = arith.constant 0 : i32
          %dma_start3A_25 = tpu.memref_slice %arg4[%add3A, %dma_start3A] : memref<2560x128xi32, #tpu.memory_space<hbm>> -> memref<32x128xi32, #tpu.memory_space<hbm>>
          %dma_start3A_26 = arith.constant 0 : i32
          %dma_start3A_27 = tpu.memref_slice %arg4[%add3A, %dma_start3A_26] : memref<2560x128xi32, #tpu.memory_space<hbm>> -> memref<32x128xi32, #tpu.memory_space<hbm>>
          tpu.enqueue_dma source(%dma_start3A_27 : memref<32x128xi32, #tpu.memory_space<hbm>>) target(%arg11 : memref<32x128xi32, #tpu.memory_space<vmem>>) target_semaphore(%run_scoped3A : memref<!tpu.dma_semaphore, #tpu.memory_space<semaphore_mem>>)
          %dma_wait3A = arith.constant 0 : i32
          %dma_wait3A_28 = tpu.memref_slice %arg4[%add3A, %dma_wait3A] : memref<2560x128xi32, #tpu.memory_space<hbm>> -> memref<32x128xi32, #tpu.memory_space<hbm>>
          %dma_wait3A_29 = arith.constant 0 : i32
          %dma_wait3A_30 = tpu.memref_slice %arg4[%add3A, %dma_wait3A_29] : memref<2560x128xi32, #tpu.memory_space<hbm>> -> memref<32x128xi32, #tpu.memory_space<hbm>>
          tpu.wait_dma2 semaphore(%run_scoped3A : memref<!tpu.dma_semaphore, #tpu.memory_space<semaphore_mem>>) src(%dma_wait3A_30 : memref<32x128xi32, #tpu.memory_space<hbm>>) dst(%arg11 : memref<32x128xi32, #tpu.memory_space<vmem>>)
          tpu.yield
        }) : () -> ()
        "tpu.region"() ({
          %run_scoped3A = tpu.sem_alloc : memref<!tpu.dma_semaphore, #tpu.memory_space<semaphore_mem>>
          %dma_start3A = arith.constant 0 : i32
          %dma_start3A_25 = tpu.memref_slice %arg5[%add3A, %dma_start3A] : memref<2560x128xi32, #tpu.memory_space<hbm>> -> memref<32x128xi32, #tpu.memory_space<hbm>>
          %dma_start3A_26 = arith.constant 0 : i32
          %dma_start3A_27 = tpu.memref_slice %arg5[%add3A, %dma_start3A_26] : memref<2560x128xi32, #tpu.memory_space<hbm>> -> memref<32x128xi32, #tpu.memory_space<hbm>>
          tpu.enqueue_dma source(%dma_start3A_27 : memref<32x128xi32, #tpu.memory_space<hbm>>) target(%arg12 : memref<32x128xi32, #tpu.memory_space<vmem>>) target_semaphore(%run_scoped3A : memref<!tpu.dma_semaphore, #tpu.memory_space<semaphore_mem>>)
          %dma_wait3A = arith.constant 0 : i32
          %dma_wait3A_28 = tpu.memref_slice %arg5[%add3A, %dma_wait3A] : memref<2560x128xi32, #tpu.memory_space<hbm>> -> memref<32x128xi32, #tpu.memory_space<hbm>>
          %dma_wait3A_29 = arith.constant 0 : i32
          %dma_wait3A_30 = tpu.memref_slice %arg5[%add3A, %dma_wait3A_29] : memref<2560x128xi32, #tpu.memory_space<hbm>> -> memref<32x128xi32, #tpu.memory_space<hbm>>
          tpu.wait_dma2 semaphore(%run_scoped3A : memref<!tpu.dma_semaphore, #tpu.memory_space<semaphore_mem>>) src(%dma_wait3A_30 : memref<32x128xi32, #tpu.memory_space<hbm>>) dst(%arg12 : memref<32x128xi32, #tpu.memory_space<vmem>>)
          tpu.yield
        }) : () -> ()
        %scan3A_19 = arith.constant 0 : i32
        %scan3A_20 = arith.constant 0 : i32
        %scan3A_21 = arith.constant 32 : i32
        %scan3A_22 = arith.addi %scan3A_20, %scan3A_21 : i32
        %scan3A_23 = arith.constant 1 : i32
        scf.for %scan3A_25 = %scan3A_20 to %scan3A_22 step %scan3A_23  : i32 {
          %dma_start3A = arith.constant 0 : i32
          %dma_start3A_26 = tpu.memref_slice %arg11[%scan3A_25, %dma_start3A] : memref<32x128xi32, #tpu.memory_space<vmem>> -> memref<1x128xi32, #tpu.memory_space<vmem>>
          %dma_start3A_27 = tpu.memref_squeeze %dma_start3A_26 : memref<1x128xi32, #tpu.memory_space<vmem>> -> memref<128xi32, #tpu.memory_space<vmem>>
          %dma_start3A_28 = arith.constant 0 : i32
          %dma_start3A_29 = arith.constant 0 : i32
          %dma_start3A_30 = tpu.memref_slice %arg2[%dma_start3A_28, %dma_start3A_29] : memref<10000x128xf32, #tpu.memory_space<hbm>> -> memref<10000x128xf32, #tpu.memory_space<hbm>>
          tpu.enqueue_indirect_dma source(%dma_start3A_30 : memref<10000x128xf32, #tpu.memory_space<hbm>>) target(%arg13 : memref<128x128xf32, #tpu.memory_space<vmem>>) offsets(%dma_start3A_27 : memref<128xi32, #tpu.memory_space<vmem>>) semaphore(%arg15 : memref<!tpu.dma_semaphore, #tpu.memory_space<semaphore_mem>>)
          %dma_wait3A = arith.constant 0 : i32
          %dma_wait3A_31 = tpu.memref_slice %arg11[%scan3A_25, %dma_wait3A] : memref<32x128xi32, #tpu.memory_space<vmem>> -> memref<1x128xi32, #tpu.memory_space<vmem>>
          %dma_wait3A_32 = tpu.memref_squeeze %dma_wait3A_31 : memref<1x128xi32, #tpu.memory_space<vmem>> -> memref<128xi32, #tpu.memory_space<vmem>>
          %dma_wait3A_33 = arith.constant 0 : i32
          %dma_wait3A_34 = arith.constant 0 : i32
          %dma_wait3A_35 = tpu.memref_slice %arg2[%dma_wait3A_33, %dma_wait3A_34] : memref<10000x128xf32, #tpu.memory_space<hbm>> -> memref<10000x128xf32, #tpu.memory_space<hbm>>
          tpu.wait_indirect_dma semaphore(%arg15 : memref<!tpu.dma_semaphore, #tpu.memory_space<semaphore_mem>>) src(%dma_wait3A_35 : memref<10000x128xf32, #tpu.memory_space<hbm>>) dst(%arg13 : memref<128x128xf32, #tpu.memory_space<vmem>>)
          "tpu.region"() ({
            %run_scoped3A = tpu.sem_alloc : memref<!tpu.dma_semaphore, #tpu.memory_space<semaphore_mem>>
            %dma_start3A_36 = arith.constant 0 : i32
            %dma_start3A_37 = tpu.memref_slice %arg12[%scan3A_25, %dma_start3A_36] : memref<32x128xi32, #tpu.memory_space<vmem>> -> memref<1x128xi32, #tpu.memory_space<vmem>>
            %dma_start3A_38 = tpu.memref_squeeze %dma_start3A_37 : memref<1x128xi32, #tpu.memory_space<vmem>> -> memref<128xi32, #tpu.memory_space<vmem>>
            %dma_start3A_39 = arith.constant 0 : i32
            %dma_start3A_40 = arith.constant 0 : i32
            %dma_start3A_41 = tpu.memref_slice %arg14[%dma_start3A_39, %dma_start3A_40] : memref<10240x128xf32, #tpu.memory_space<vmem_shared>> -> memref<10240x128xf32, #tpu.memory_space<vmem_shared>>
            tpu.enqueue_indirect_dma source(%arg13 : memref<128x128xf32, #tpu.memory_space<vmem>>) target(%dma_start3A_41 : memref<10240x128xf32, #tpu.memory_space<vmem_shared>>) offsets(%dma_start3A_38 : memref<128xi32, #tpu.memory_space<vmem>>) semaphore(%run_scoped3A : memref<!tpu.dma_semaphore, #tpu.memory_space<semaphore_mem>>) {add = true}
            %dma_wait3A_42 = arith.constant 0 : i32
            %dma_wait3A_43 = tpu.memref_slice %arg12[%scan3A_25, %dma_wait3A_42] : memref<32x128xi32, #tpu.memory_space<vmem>> -> memref<1x128xi32, #tpu.memory_space<vmem>>
            %dma_wait3A_44 = tpu.memref_squeeze %dma_wait3A_43 : memref<1x128xi32, #tpu.memory_space<vmem>> -> memref<128xi32, #tpu.memory_space<vmem>>
            %dma_wait3A_45 = arith.constant 0 : i32
            %dma_wait3A_46 = arith.constant 0 : i32
            %dma_wait3A_47 = tpu.memref_slice %arg14[%dma_wait3A_45, %dma_wait3A_46] : memref<10240x128xf32, #tpu.memory_space<vmem_shared>> -> memref<10240x128xf32, #tpu.memory_space<vmem_shared>>
            tpu.wait_indirect_dma semaphore(%run_scoped3A : memref<!tpu.dma_semaphore, #tpu.memory_space<semaphore_mem>>) src(%arg13 : memref<128x128xf32, #tpu.memory_space<vmem>>) dst(%dma_wait3A_47 : memref<10240x128xf32, #tpu.memory_space<vmem_shared>>)
            tpu.yield
          }) : () -> ()
        }
        %scan3A_24 = arith.constant 32 : i32
      }
      %scan3A_12 = arith.constant 5 : i32
      %barrier3A_13 = arith.constant 0 : index
      tpu.barrier barrier_id(%barrier3A_13)
      "tpu.region"() ({
        %run_scoped3A = tpu.sem_alloc : memref<!tpu.dma_semaphore, #tpu.memory_space<semaphore_mem>>
        %dma_start3A = arith.constant 0 : i32
        %dma_start3A_14 = tpu.memref_slice %arg9[%mul3A_0, %dma_start3A] : memref<10240x128xf32, #tpu.memory_space<hbm>> -> memref<640x128xf32, #tpu.memory_space<hbm>>
        %dma_start3A_15 = arith.constant 0 : i32
        %dma_start3A_16 = tpu.memref_slice %arg14[%mul3A_0, %dma_start3A_15] : memref<10240x128xf32, #tpu.memory_space<vmem_shared>> -> memref<640x128xf32, #tpu.memory_space<vmem_shared>>
        tpu.enqueue_dma source(%dma_start3A_16 : memref<640x128xf32, #tpu.memory_space<vmem_shared>>) target(%dma_start3A_14 : memref<640x128xf32, #tpu.memory_space<hbm>>) target_semaphore(%run_scoped3A : memref<!tpu.dma_semaphore, #tpu.memory_space<semaphore_mem>>)
        %dma_wait3A = arith.constant 0 : i32
        %dma_wait3A_17 = tpu.memref_slice %arg9[%mul3A_0, %dma_wait3A] : memref<10240x128xf32, #tpu.memory_space<hbm>> -> memref<640x128xf32, #tpu.memory_space<hbm>>
        %dma_wait3A_18 = arith.constant 0 : i32
        %dma_wait3A_19 = tpu.memref_slice %arg14[%mul3A_0, %dma_wait3A_18] : memref<10240x128xf32, #tpu.memory_space<vmem_shared>> -> memref<640x128xf32, #tpu.memory_space<vmem_shared>>
        tpu.wait_dma2 semaphore(%run_scoped3A : memref<!tpu.dma_semaphore, #tpu.memory_space<semaphore_mem>>) src(%dma_wait3A_19 : memref<640x128xf32, #tpu.memory_space<vmem_shared>>) dst(%dma_wait3A_17 : memref<640x128xf32, #tpu.memory_space<hbm>>)
        tpu.yield
      }) : () -> ()
    } else {
    }
    %eq3A_3 = arith.constant 1 : i32
    %eq3A_4 = arith.cmpi eq, %arg0, %eq3A_3 : i32
    %convert_element_type3A_5 = arith.extui %eq3A_4 : i1 to i32
    %cond3A_6 = arith.constant 0 : i32
    %cond3A_7 = arith.cmpi ne, %convert_element_type3A_5, %cond3A_6 : i32
    scf.if %cond3A_7 {
      "tpu.region"() ({
        %run_scoped3A = tpu.sem_alloc : memref<!tpu.dma_semaphore, #tpu.memory_space<semaphore_mem>>
        %dma_start3A = arith.constant 0 : i32
        %dma_start3A_14 = tpu.memref_slice %arg14[%mul3A_0, %dma_start3A] : memref<10240x128xf32, #tpu.memory_space<vmem_shared>> -> memref<640x128xf32, #tpu.memory_space<vmem_shared>>
        %dma_start3A_15 = arith.constant 0 : i32
        %dma_start3A_16 = tpu.memref_slice %arg8[%mul3A_0, %dma_start3A_15] : memref<10240x128xf32, #tpu.memory_space<hbm>> -> memref<640x128xf32, #tpu.memory_space<hbm>>
        tpu.enqueue_dma source(%dma_start3A_16 : memref<640x128xf32, #tpu.memory_space<hbm>>) target(%dma_start3A_14 : memref<640x128xf32, #tpu.memory_space<vmem_shared>>) target_semaphore(%run_scoped3A : memref<!tpu.dma_semaphore, #tpu.memory_space<semaphore_mem>>)
        %dma_wait3A = arith.constant 0 : i32
        %dma_wait3A_17 = tpu.memref_slice %arg14[%mul3A_0, %dma_wait3A] : memref<10240x128xf32, #tpu.memory_space<vmem_shared>> -> memref<640x128xf32, #tpu.memory_space<vmem_shared>>
        %dma_wait3A_18 = arith.constant 0 : i32
        %dma_wait3A_19 = tpu.memref_slice %arg8[%mul3A_0, %dma_wait3A_18] : memref<10240x128xf32, #tpu.memory_space<hbm>> -> memref<640x128xf32, #tpu.memory_space<hbm>>
        tpu.wait_dma2 semaphore(%run_scoped3A : memref<!tpu.dma_semaphore, #tpu.memory_space<semaphore_mem>>) src(%dma_wait3A_19 : memref<640x128xf32, #tpu.memory_space<hbm>>) dst(%dma_wait3A_17 : memref<640x128xf32, #tpu.memory_space<vmem_shared>>)
        tpu.yield
      }) : () -> ()
      %barrier3A = arith.constant 0 : index
      tpu.barrier barrier_id(%barrier3A)
      %scan3A = arith.constant 0 : i32
      %scan3A_8 = arith.constant 0 : i32
      %scan3A_9 = arith.constant 5 : i32
      %scan3A_10 = arith.addi %scan3A_8, %scan3A_9 : i32
      %scan3A_11 = arith.constant 1 : i32
      scf.for %scan3A_14 = %scan3A_8 to %scan3A_10 step %scan3A_11  : i32 {
        %mul3A_15 = arith.constant 160 : i32
        %mul3A_16 = arith.muli %arg1, %mul3A_15 : i32
        %mul3A_17 = arith.constant 32 : i32
        %mul3A_18 = arith.muli %scan3A_14, %mul3A_17 : i32
        %add3A = arith.addi %mul3A_16, %mul3A_18 : i32
        "tpu.region"() ({
          %run_scoped3A = tpu.sem_alloc : memref<!tpu.dma_semaphore, #tpu.memory_space<semaphore_mem>>
          %dma_start3A = arith.constant 0 : i32
          %dma_start3A_25 = tpu.memref_slice %arg6[%add3A, %dma_start3A] : memref<2560x128xi32, #tpu.memory_space<hbm>> -> memref<32x128xi32, #tpu.memory_space<hbm>>
          %dma_start3A_26 = arith.constant 0 : i32
          %dma_start3A_27 = tpu.memref_slice %arg6[%add3A, %dma_start3A_26] : memref<2560x128xi32, #tpu.memory_space<hbm>> -> memref<32x128xi32, #tpu.memory_space<hbm>>
          tpu.enqueue_dma source(%dma_start3A_27 : memref<32x128xi32, #tpu.memory_space<hbm>>) target(%arg11 : memref<32x128xi32, #tpu.memory_space<vmem>>) target_semaphore(%run_scoped3A : memref<!tpu.dma_semaphore, #tpu.memory_space<semaphore_mem>>)
          %dma_wait3A = arith.constant 0 : i32
          %dma_wait3A_28 = tpu.memref_slice %arg6[%add3A, %dma_wait3A] : memref<2560x128xi32, #tpu.memory_space<hbm>> -> memref<32x128xi32, #tpu.memory_space<hbm>>
          %dma_wait3A_29 = arith.constant 0 : i32
          %dma_wait3A_30 = tpu.memref_slice %arg6[%add3A, %dma_wait3A_29] : memref<2560x128xi32, #tpu.memory_space<hbm>> -> memref<32x128xi32, #tpu.memory_space<hbm>>
          tpu.wait_dma2 semaphore(%run_scoped3A : memref<!tpu.dma_semaphore, #tpu.memory_space<semaphore_mem>>) src(%dma_wait3A_30 : memref<32x128xi32, #tpu.memory_space<hbm>>) dst(%arg11 : memref<32x128xi32, #tpu.memory_space<vmem>>)
          tpu.yield
        }) : () -> ()
        "tpu.region"() ({
          %run_scoped3A = tpu.sem_alloc : memref<!tpu.dma_semaphore, #tpu.memory_space<semaphore_mem>>
          %dma_start3A = arith.constant 0 : i32
          %dma_start3A_25 = tpu.memref_slice %arg7[%add3A, %dma_start3A] : memref<2560x128xi32, #tpu.memory_space<hbm>> -> memref<32x128xi32, #tpu.memory_space<hbm>>
          %dma_start3A_26 = arith.constant 0 : i32
          %dma_start3A_27 = tpu.memref_slice %arg7[%add3A, %dma_start3A_26] : memref<2560x128xi32, #tpu.memory_space<hbm>> -> memref<32x128xi32, #tpu.memory_space<hbm>>
          tpu.enqueue_dma source(%dma_start3A_27 : memref<32x128xi32, #tpu.memory_space<hbm>>) target(%arg12 : memref<32x128xi32, #tpu.memory_space<vmem>>) target_semaphore(%run_scoped3A : memref<!tpu.dma_semaphore, #tpu.memory_space<semaphore_mem>>)
          %dma_wait3A = arith.constant 0 : i32
          %dma_wait3A_28 = tpu.memref_slice %arg7[%add3A, %dma_wait3A] : memref<2560x128xi32, #tpu.memory_space<hbm>> -> memref<32x128xi32, #tpu.memory_space<hbm>>
          %dma_wait3A_29 = arith.constant 0 : i32
          %dma_wait3A_30 = tpu.memref_slice %arg7[%add3A, %dma_wait3A_29] : memref<2560x128xi32, #tpu.memory_space<hbm>> -> memref<32x128xi32, #tpu.memory_space<hbm>>
          tpu.wait_dma2 semaphore(%run_scoped3A : memref<!tpu.dma_semaphore, #tpu.memory_space<semaphore_mem>>) src(%dma_wait3A_30 : memref<32x128xi32, #tpu.memory_space<hbm>>) dst(%arg12 : memref<32x128xi32, #tpu.memory_space<vmem>>)
          tpu.yield
        }) : () -> ()
        %scan3A_19 = arith.constant 0 : i32
        %scan3A_20 = arith.constant 0 : i32
        %scan3A_21 = arith.constant 32 : i32
        %scan3A_22 = arith.addi %scan3A_20, %scan3A_21 : i32
        %scan3A_23 = arith.constant 1 : i32
        scf.for %scan3A_25 = %scan3A_20 to %scan3A_22 step %scan3A_23  : i32 {
          %dma_start3A = arith.constant 0 : i32
          %dma_start3A_26 = tpu.memref_slice %arg11[%scan3A_25, %dma_start3A] : memref<32x128xi32, #tpu.memory_space<vmem>> -> memref<1x128xi32, #tpu.memory_space<vmem>>
          %dma_start3A_27 = tpu.memref_squeeze %dma_start3A_26 : memref<1x128xi32, #tpu.memory_space<vmem>> -> memref<128xi32, #tpu.memory_space<vmem>>
          %dma_start3A_28 = arith.constant 0 : i32
          %dma_start3A_29 = arith.constant 0 : i32
          %dma_start3A_30 = tpu.memref_slice %arg3[%dma_start3A_28, %dma_start3A_29] : memref<10000x128xf32, #tpu.memory_space<hbm>> -> memref<10000x128xf32, #tpu.memory_space<hbm>>
          tpu.enqueue_indirect_dma source(%dma_start3A_30 : memref<10000x128xf32, #tpu.memory_space<hbm>>) target(%arg13 : memref<128x128xf32, #tpu.memory_space<vmem>>) offsets(%dma_start3A_27 : memref<128xi32, #tpu.memory_space<vmem>>) semaphore(%arg15 : memref<!tpu.dma_semaphore, #tpu.memory_space<semaphore_mem>>)
          %dma_wait3A = arith.constant 0 : i32
          %dma_wait3A_31 = tpu.memref_slice %arg11[%scan3A_25, %dma_wait3A] : memref<32x128xi32, #tpu.memory_space<vmem>> -> memref<1x128xi32, #tpu.memory_space<vmem>>
          %dma_wait3A_32 = tpu.memref_squeeze %dma_wait3A_31 : memref<1x128xi32, #tpu.memory_space<vmem>> -> memref<128xi32, #tpu.memory_space<vmem>>
          %dma_wait3A_33 = arith.constant 0 : i32
          %dma_wait3A_34 = arith.constant 0 : i32
          %dma_wait3A_35 = tpu.memref_slice %arg3[%dma_wait3A_33, %dma_wait3A_34] : memref<10000x128xf32, #tpu.memory_space<hbm>> -> memref<10000x128xf32, #tpu.memory_space<hbm>>
          tpu.wait_indirect_dma semaphore(%arg15 : memref<!tpu.dma_semaphore, #tpu.memory_space<semaphore_mem>>) src(%dma_wait3A_35 : memref<10000x128xf32, #tpu.memory_space<hbm>>) dst(%arg13 : memref<128x128xf32, #tpu.memory_space<vmem>>)
          "tpu.region"() ({
            %run_scoped3A = tpu.sem_alloc : memref<!tpu.dma_semaphore, #tpu.memory_space<semaphore_mem>>
            %dma_start3A_36 = arith.constant 0 : i32
            %dma_start3A_37 = tpu.memref_slice %arg12[%scan3A_25, %dma_start3A_36] : memref<32x128xi32, #tpu.memory_space<vmem>> -> memref<1x128xi32, #tpu.memory_space<vmem>>
            %dma_start3A_38 = tpu.memref_squeeze %dma_start3A_37 : memref<1x128xi32, #tpu.memory_space<vmem>> -> memref<128xi32, #tpu.memory_space<vmem>>
            %dma_start3A_39 = arith.constant 0 : i32
            %dma_start3A_40 = arith.constant 0 : i32
            %dma_start3A_41 = tpu.memref_slice %arg14[%dma_start3A_39, %dma_start3A_40] : memref<10240x128xf32, #tpu.memory_space<vmem_shared>> -> memref<10240x128xf32, #tpu.memory_space<vmem_shared>>
            tpu.enqueue_indirect_dma source(%arg13 : memref<128x128xf32, #tpu.memory_space<vmem>>) target(%dma_start3A_41 : memref<10240x128xf32, #tpu.memory_space<vmem_shared>>) offsets(%dma_start3A_38 : memref<128xi32, #tpu.memory_space<vmem>>) semaphore(%run_scoped3A : memref<!tpu.dma_semaphore, #tpu.memory_space<semaphore_mem>>) {add = true}
            %dma_wait3A_42 = arith.constant 0 : i32
            %dma_wait3A_43 = tpu.memref_slice %arg12[%scan3A_25, %dma_wait3A_42] : memref<32x128xi32, #tpu.memory_space<vmem>> -> memref<1x128xi32, #tpu.memory_space<vmem>>
            %dma_wait3A_44 = tpu.memref_squeeze %dma_wait3A_43 : memref<1x128xi32, #tpu.memory_space<vmem>> -> memref<128xi32, #tpu.memory_space<vmem>>
            %dma_wait3A_45 = arith.constant 0 : i32
            %dma_wait3A_46 = arith.constant 0 : i32
            %dma_wait3A_47 = tpu.memref_slice %arg14[%dma_wait3A_45, %dma_wait3A_46] : memref<10240x128xf32, #tpu.memory_space<vmem_shared>> -> memref<10240x128xf32, #tpu.memory_space<vmem_shared>>
            tpu.wait_indirect_dma semaphore(%run_scoped3A : memref<!tpu.dma_semaphore, #tpu.memory_space<semaphore_mem>>) src(%arg13 : memref<128x128xf32, #tpu.memory_space<vmem>>) dst(%dma_wait3A_47 : memref<10240x128xf32, #tpu.memory_space<vmem_shared>>)
            tpu.yield
          }) : () -> ()
        }
        %scan3A_24 = arith.constant 32 : i32
      }
      %scan3A_12 = arith.constant 5 : i32
      %barrier3A_13 = arith.constant 0 : index
      tpu.barrier barrier_id(%barrier3A_13)
      "tpu.region"() ({
        %run_scoped3A = tpu.sem_alloc : memref<!tpu.dma_semaphore, #tpu.memory_space<semaphore_mem>>
        %dma_start3A = arith.constant 0 : i32
        %dma_start3A_14 = tpu.memref_slice %arg10[%mul3A_0, %dma_start3A] : memref<10240x128xf32, #tpu.memory_space<hbm>> -> memref<640x128xf32, #tpu.memory_space<hbm>>
        %dma_start3A_15 = arith.constant 0 : i32
        %dma_start3A_16 = tpu.memref_slice %arg14[%mul3A_0, %dma_start3A_15] : memref<10240x128xf32, #tpu.memory_space<vmem_shared>> -> memref<640x128xf32, #tpu.memory_space<vmem_shared>>
        tpu.enqueue_dma source(%dma_start3A_16 : memref<640x128xf32, #tpu.memory_space<vmem_shared>>) target(%dma_start3A_14 : memref<640x128xf32, #tpu.memory_space<hbm>>) target_semaphore(%run_scoped3A : memref<!tpu.dma_semaphore, #tpu.memory_space<semaphore_mem>>)
        %dma_wait3A = arith.constant 0 : i32
        %dma_wait3A_17 = tpu.memref_slice %arg10[%mul3A_0, %dma_wait3A] : memref<10240x128xf32, #tpu.memory_space<hbm>> -> memref<640x128xf32, #tpu.memory_space<hbm>>
        %dma_wait3A_18 = arith.constant 0 : i32
        %dma_wait3A_19 = tpu.memref_slice %arg14[%mul3A_0, %dma_wait3A_18] : memref<10240x128xf32, #tpu.memory_space<vmem_shared>> -> memref<640x128xf32, #tpu.memory_space<vmem_shared>>
        tpu.wait_dma2 semaphore(%run_scoped3A : memref<!tpu.dma_semaphore, #tpu.memory_space<semaphore_mem>>) src(%dma_wait3A_19 : memref<640x128xf32, #tpu.memory_space<vmem_shared>>) dst(%dma_wait3A_17 : memref<640x128xf32, #tpu.memory_space<hbm>>)
        tpu.yield
      }) : () -> ()
    } else {
    }
    return
  }
}

module attributes {stable_mosaic.version = 14 : i64} {
  func.func @_dense1_body(%arg0: i32, %arg1: memref<1000x128xf32, #tpu.memory_space<vmem>>, %arg2: memref<1000x128xf32, #tpu.memory_space<vmem>>, %arg3: memref<1000x128xf32, #tpu.memory_space<vmem>>, %arg4: memref<1000x128xf32, #tpu.memory_space<vmem>>, %arg5: memref<1000x128xf32, #tpu.memory_space<vmem>>, %arg6: memref<1000x128xf32, #tpu.memory_space<vmem>>, %arg7: memref<128x128xf32, #tpu.memory_space<vmem>>, %arg8: memref<128x128xf32, #tpu.memory_space<vmem>>, %arg9: memref<128x128xf32, #tpu.memory_space<vmem>>, %arg10: memref<128x128xf32, #tpu.memory_space<vmem>>, %arg11: memref<1x128xf32, #tpu.memory_space<vmem>>, %arg12: memref<1x128xf32, #tpu.memory_space<vmem>>, %arg13: memref<1x128xf32, #tpu.memory_space<vmem>>, %arg14: memref<1x128xf32, #tpu.memory_space<vmem>>, %arg15: memref<1x128xf32, #tpu.memory_space<vmem>>, %arg16: memref<1x128xf32, #tpu.memory_space<vmem>>, %arg17: memref<1000x128xf32, #tpu.memory_space<vmem>>, %arg18: memref<1000x128xf32, #tpu.memory_space<vmem>>) attributes {dimension_semantics = [#tpu.dimension_semantics<arbitrary>], iteration_bounds = array<i64: 10>, scalar_prefetch = 0 : i64, scratch_operands = 0 : i64, tpu.core_type = #tpu.core_type<tc>, window_params = [{transform_indices = @transform_0, window_bounds = array<i64: 1000, 128>}, {transform_indices = @transform_1, window_bounds = array<i64: 1000, 128>}, {transform_indices = @transform_2, window_bounds = array<i64: 1000, 128>}, {transform_indices = @transform_3, window_bounds = array<i64: 1000, 128>}, {transform_indices = @transform_4, window_bounds = array<i64: 1000, 128>}, {transform_indices = @transform_5, window_bounds = array<i64: 1000, 128>}, {pipeline_mode = #tpu.pipeline_mode<synchronous>, transform_indices = @transform_6, window_bounds = array<i64: 128, 128>}, {pipeline_mode = #tpu.pipeline_mode<synchronous>, transform_indices = @transform_7, window_bounds = array<i64: 128, 128>}, {pipeline_mode = #tpu.pipeline_mode<synchronous>, transform_indices = @transform_8, window_bounds = array<i64: 128, 128>}, {pipeline_mode = #tpu.pipeline_mode<synchronous>, transform_indices = @transform_9, window_bounds = array<i64: 128, 128>}, {pipeline_mode = #tpu.pipeline_mode<synchronous>, transform_indices = @transform_10, window_bounds = array<i64: 1, 128>}, {pipeline_mode = #tpu.pipeline_mode<synchronous>, transform_indices = @transform_11, window_bounds = array<i64: 1, 128>}, {pipeline_mode = #tpu.pipeline_mode<synchronous>, transform_indices = @transform_12, window_bounds = array<i64: 1, 128>}, {pipeline_mode = #tpu.pipeline_mode<synchronous>, transform_indices = @transform_13, window_bounds = array<i64: 1, 128>}, {pipeline_mode = #tpu.pipeline_mode<synchronous>, transform_indices = @transform_14, window_bounds = array<i64: 1, 128>}, {pipeline_mode = #tpu.pipeline_mode<synchronous>, transform_indices = @transform_15, window_bounds = array<i64: 1, 128>}, {transform_indices = @transform_16, window_bounds = array<i64: 1000, 128>}, {transform_indices = @transform_17, window_bounds = array<i64: 1000, 128>}]} {
    %get3A = arith.constant 0 : index
    %get3A_0 = arith.constant 0 : index
    %get3A_1 = vector.load %arg1[%get3A, %get3A_0] : memref<1000x128xf32, #tpu.memory_space<vmem>>, vector<1000x128xf32>
    %get3A_2 = arith.constant 0 : index
    %get3A_3 = arith.constant 0 : index
    %get3A_4 = vector.load %arg5[%get3A_2, %get3A_3] : memref<1000x128xf32, #tpu.memory_space<vmem>>, vector<1000x128xf32>
    %slice3A = vector.extract_strided_slice %get3A_4 {offsets = [0, 0], sizes = [1000, 1], strides = [1, 1]} : vector<1000x128xf32> to vector<1000x1xf32>
    %get3A_5 = arith.constant 0 : index
    %get3A_6 = arith.constant 0 : index
    %get3A_7 = vector.load %arg3[%get3A_5, %get3A_6] : memref<1000x128xf32, #tpu.memory_space<vmem>>, vector<1000x128xf32>
    %max3A = arith.constant 1.000000e+00 : f32
    %max3A_8 = vector.broadcast %max3A : f32 to vector<1000x1xf32>
    %max3A_9 = arith.maximumf %slice3A, %max3A_8 : vector<1000x1xf32>
    %div3A = arith.constant 1.000000e+00 : f32
    %div3A_10 = vector.broadcast %div3A : f32 to vector<1000x1xf32>
    %div3A_11 = arith.divf %div3A_10, %max3A_9 : vector<1000x1xf32>
    %mul3A = vector.broadcast %div3A_11 : vector<1000x1xf32> to vector<1000x128xf32>
    %mul3A_12 = arith.mulf %get3A_7, %mul3A : vector<1000x128xf32>
    %get3A_13 = arith.constant 0 : index
    %get3A_14 = arith.constant 0 : index
    %get3A_15 = vector.load %arg7[%get3A_13, %get3A_14] : memref<128x128xf32, #tpu.memory_space<vmem>>, vector<128x128xf32>
    %dot_general3A = arith.constant dense<0.000000e+00> : vector<1000x128xf32>
    %dot_general3A_16 = tpu.matmul %get3A_1, %get3A_15, %dot_general3A {dimension_numbers = #tpu.dot_dimension_numbers<[1], [0], [0], [1], [0, 0, 1, 1], [], []>, transpose_lhs_hint = false} : vector<1000x128xf32>, vector<128x128xf32>, vector<1000x128xf32> -> vector<1000x128xf32>
    %get3A_17 = arith.constant 0 : index
    %get3A_18 = arith.constant 0 : index
    %get3A_19 = vector.load %arg10[%get3A_17, %get3A_18] : memref<128x128xf32, #tpu.memory_space<vmem>>, vector<128x128xf32>
    %dot_general3A_20 = arith.constant dense<0.000000e+00> : vector<1000x128xf32>
    %dot_general3A_21 = tpu.matmul %mul3A_12, %get3A_19, %dot_general3A_20 {dimension_numbers = #tpu.dot_dimension_numbers<[1], [0], [0], [1], [0, 0, 1, 1], [], []>, transpose_lhs_hint = false} : vector<1000x128xf32>, vector<128x128xf32>, vector<1000x128xf32> -> vector<1000x128xf32>
    %add3A = arith.addf %dot_general3A_16, %dot_general3A_21 : vector<1000x128xf32>
    %get3A_22 = arith.constant 0 : index
    %get3A_23 = arith.constant 0 : index
    %get3A_24 = vector.load %arg11[%get3A_22, %get3A_23] : memref<1x128xf32, #tpu.memory_space<vmem>>, vector<1x128xf32>
    %add3A_25 = vector.broadcast %get3A_24 : vector<1x128xf32> to vector<1000x128xf32>
    %add3A_26 = arith.addf %add3A, %add3A_25 : vector<1000x128xf32>
    %get3A_27 = arith.constant 0 : index
    %get3A_28 = arith.constant 0 : index
    %get3A_29 = vector.load %arg13[%get3A_27, %get3A_28] : memref<1x128xf32, #tpu.memory_space<vmem>>, vector<1x128xf32>
    %get3A_30 = arith.constant 0 : index
    %get3A_31 = arith.constant 0 : index
    %get3A_32 = vector.load %arg14[%get3A_30, %get3A_31] : memref<1x128xf32, #tpu.memory_space<vmem>>, vector<1x128xf32>
    %reduce_sum3A = arith.constant dense<0.000000e+00> : vector<1000xf32>
    %reduce_sum3A_33 = vector.multi_reduction <add>, %add3A_26, %reduce_sum3A [1] : vector<1000x128xf32> to vector<1000xf32>
    %broadcast_in_dim3A = vector.shape_cast %reduce_sum3A_33 : vector<1000xf32> to vector<1000x1xf32>
    %div3A_34 = arith.constant 1.280000e+02 : f32
    %div3A_35 = vector.broadcast %div3A_34 : f32 to vector<1000x1xf32>
    %div3A_36 = arith.divf %broadcast_in_dim3A, %div3A_35 : vector<1000x1xf32>
    %sub3A = vector.broadcast %div3A_36 : vector<1000x1xf32> to vector<1000x128xf32>
    %sub3A_37 = arith.subf %add3A_26, %sub3A : vector<1000x128xf32>
    %integer_pow3A = arith.mulf %sub3A_37, %sub3A_37 : vector<1000x128xf32>
    %reduce_sum3A_38 = arith.constant dense<0.000000e+00> : vector<1000xf32>
    %reduce_sum3A_39 = vector.multi_reduction <add>, %integer_pow3A, %reduce_sum3A_38 [1] : vector<1000x128xf32> to vector<1000xf32>
    %broadcast_in_dim3A_40 = vector.shape_cast %reduce_sum3A_39 : vector<1000xf32> to vector<1000x1xf32>
    %div3A_41 = arith.constant 1.280000e+02 : f32
    %div3A_42 = vector.broadcast %div3A_41 : f32 to vector<1000x1xf32>
    %div3A_43 = arith.divf %broadcast_in_dim3A_40, %div3A_42 : vector<1000x1xf32>
    %sub3A_44 = vector.broadcast %div3A_36 : vector<1000x1xf32> to vector<1000x128xf32>
    %sub3A_45 = arith.subf %add3A_26, %sub3A_44 : vector<1000x128xf32>
    %add3A_46 = arith.constant 9.99999974E-6 : f32
    %add3A_47 = vector.broadcast %add3A_46 : f32 to vector<1000x1xf32>
    %add3A_48 = arith.addf %div3A_43, %add3A_47 : vector<1000x1xf32>
    %sqrt3A = math.sqrt %add3A_48 : vector<1000x1xf32>
    %div3A_49 = vector.broadcast %sqrt3A : vector<1000x1xf32> to vector<1000x128xf32>
    %div3A_50 = arith.divf %sub3A_45, %div3A_49 : vector<1000x128xf32>
    %mul3A_51 = vector.broadcast %get3A_29 : vector<1x128xf32> to vector<1000x128xf32>
    %mul3A_52 = arith.mulf %div3A_50, %mul3A_51 : vector<1000x128xf32>
    %add3A_53 = vector.broadcast %get3A_32 : vector<1x128xf32> to vector<1000x128xf32>
    %add3A_54 = arith.addf %mul3A_52, %add3A_53 : vector<1000x128xf32>
    %max3A_55 = arith.constant 0.000000e+00 : f32
    %max3A_56 = vector.broadcast %max3A_55 : f32 to vector<1000x128xf32>
    %max3A_57 = arith.maximumf %add3A_54, %max3A_56 : vector<1000x128xf32>
    %swap3A = arith.constant 0 : index
    %swap3A_58 = arith.constant 0 : index
    %swap3A_59 = vector.load %arg17[%swap3A, %swap3A_58] : memref<1000x128xf32, #tpu.memory_space<vmem>>, vector<1000x128xf32>
    tpu.vector_store %arg17[%swap3A, %swap3A_58], %max3A_57 {strides = array<i32>} : memref<1000x128xf32, #tpu.memory_space<vmem>>, vector<1000x128xf32>,
    %get3A_60 = arith.constant 0 : index
    %get3A_61 = arith.constant 0 : index
    %get3A_62 = vector.load %arg2[%get3A_60, %get3A_61] : memref<1000x128xf32, #tpu.memory_space<vmem>>, vector<1000x128xf32>
    %get3A_63 = arith.constant 0 : index
    %get3A_64 = arith.constant 0 : index
    %get3A_65 = vector.load %arg6[%get3A_63, %get3A_64] : memref<1000x128xf32, #tpu.memory_space<vmem>>, vector<1000x128xf32>
    %slice3A_66 = vector.extract_strided_slice %get3A_65 {offsets = [0, 0], sizes = [1000, 1], strides = [1, 1]} : vector<1000x128xf32> to vector<1000x1xf32>
    %get3A_67 = arith.constant 0 : index
    %get3A_68 = arith.constant 0 : index
    %get3A_69 = vector.load %arg4[%get3A_67, %get3A_68] : memref<1000x128xf32, #tpu.memory_space<vmem>>, vector<1000x128xf32>
    %max3A_70 = arith.constant 1.000000e+00 : f32
    %max3A_71 = vector.broadcast %max3A_70 : f32 to vector<1000x1xf32>
    %max3A_72 = arith.maximumf %slice3A_66, %max3A_71 : vector<1000x1xf32>
    %div3A_73 = arith.constant 1.000000e+00 : f32
    %div3A_74 = vector.broadcast %div3A_73 : f32 to vector<1000x1xf32>
    %div3A_75 = arith.divf %div3A_74, %max3A_72 : vector<1000x1xf32>
    %mul3A_76 = vector.broadcast %div3A_75 : vector<1000x1xf32> to vector<1000x128xf32>
    %mul3A_77 = arith.mulf %get3A_69, %mul3A_76 : vector<1000x128xf32>
    %get3A_78 = arith.constant 0 : index
    %get3A_79 = arith.constant 0 : index
    %get3A_80 = vector.load %arg8[%get3A_78, %get3A_79] : memref<128x128xf32, #tpu.memory_space<vmem>>, vector<128x128xf32>
    %dot_general3A_81 = arith.constant dense<0.000000e+00> : vector<1000x128xf32>
    %dot_general3A_82 = tpu.matmul %get3A_62, %get3A_80, %dot_general3A_81 {dimension_numbers = #tpu.dot_dimension_numbers<[1], [0], [0], [1], [0, 0, 1, 1], [], []>, transpose_lhs_hint = false} : vector<1000x128xf32>, vector<128x128xf32>, vector<1000x128xf32> -> vector<1000x128xf32>
    %get3A_83 = arith.constant 0 : index
    %get3A_84 = arith.constant 0 : index
    %get3A_85 = vector.load %arg9[%get3A_83, %get3A_84] : memref<128x128xf32, #tpu.memory_space<vmem>>, vector<128x128xf32>
    %dot_general3A_86 = arith.constant dense<0.000000e+00> : vector<1000x128xf32>
    %dot_general3A_87 = tpu.matmul %mul3A_77, %get3A_85, %dot_general3A_86 {dimension_numbers = #tpu.dot_dimension_numbers<[1], [0], [0], [1], [0, 0, 1, 1], [], []>, transpose_lhs_hint = false} : vector<1000x128xf32>, vector<128x128xf32>, vector<1000x128xf32> -> vector<1000x128xf32>
    %add3A_88 = arith.addf %dot_general3A_82, %dot_general3A_87 : vector<1000x128xf32>
    %get3A_89 = arith.constant 0 : index
    %get3A_90 = arith.constant 0 : index
    %get3A_91 = vector.load %arg12[%get3A_89, %get3A_90] : memref<1x128xf32, #tpu.memory_space<vmem>>, vector<1x128xf32>
    %add3A_92 = vector.broadcast %get3A_91 : vector<1x128xf32> to vector<1000x128xf32>
    %add3A_93 = arith.addf %add3A_88, %add3A_92 : vector<1000x128xf32>
    %get3A_94 = arith.constant 0 : index
    %get3A_95 = arith.constant 0 : index
    %get3A_96 = vector.load %arg15[%get3A_94, %get3A_95] : memref<1x128xf32, #tpu.memory_space<vmem>>, vector<1x128xf32>
    %get3A_97 = arith.constant 0 : index
    %get3A_98 = arith.constant 0 : index
    %get3A_99 = vector.load %arg16[%get3A_97, %get3A_98] : memref<1x128xf32, #tpu.memory_space<vmem>>, vector<1x128xf32>
    %reduce_sum3A_100 = arith.constant dense<0.000000e+00> : vector<1000xf32>
    %reduce_sum3A_101 = vector.multi_reduction <add>, %add3A_93, %reduce_sum3A_100 [1] : vector<1000x128xf32> to vector<1000xf32>
    %broadcast_in_dim3A_102 = vector.shape_cast %reduce_sum3A_101 : vector<1000xf32> to vector<1000x1xf32>
    %div3A_103 = arith.constant 1.280000e+02 : f32
    %div3A_104 = vector.broadcast %div3A_103 : f32 to vector<1000x1xf32>
    %div3A_105 = arith.divf %broadcast_in_dim3A_102, %div3A_104 : vector<1000x1xf32>
    %sub3A_106 = vector.broadcast %div3A_105 : vector<1000x1xf32> to vector<1000x128xf32>
    %sub3A_107 = arith.subf %add3A_93, %sub3A_106 : vector<1000x128xf32>
    %integer_pow3A_108 = arith.mulf %sub3A_107, %sub3A_107 : vector<1000x128xf32>
    %reduce_sum3A_109 = arith.constant dense<0.000000e+00> : vector<1000xf32>
    %reduce_sum3A_110 = vector.multi_reduction <add>, %integer_pow3A_108, %reduce_sum3A_109 [1] : vector<1000x128xf32> to vector<1000xf32>
    %broadcast_in_dim3A_111 = vector.shape_cast %reduce_sum3A_110 : vector<1000xf32> to vector<1000x1xf32>
    %div3A_112 = arith.constant 1.280000e+02 : f32
    %div3A_113 = vector.broadcast %div3A_112 : f32 to vector<1000x1xf32>
    %div3A_114 = arith.divf %broadcast_in_dim3A_111, %div3A_113 : vector<1000x1xf32>
    %sub3A_115 = vector.broadcast %div3A_105 : vector<1000x1xf32> to vector<1000x128xf32>
    %sub3A_116 = arith.subf %add3A_93, %sub3A_115 : vector<1000x128xf32>
    %add3A_117 = arith.constant 9.99999974E-6 : f32
    %add3A_118 = vector.broadcast %add3A_117 : f32 to vector<1000x1xf32>
    %add3A_119 = arith.addf %div3A_114, %add3A_118 : vector<1000x1xf32>
    %sqrt3A_120 = math.sqrt %add3A_119 : vector<1000x1xf32>
    %div3A_121 = vector.broadcast %sqrt3A_120 : vector<1000x1xf32> to vector<1000x128xf32>
    %div3A_122 = arith.divf %sub3A_116, %div3A_121 : vector<1000x128xf32>
    %mul3A_123 = vector.broadcast %get3A_96 : vector<1x128xf32> to vector<1000x128xf32>
    %mul3A_124 = arith.mulf %div3A_122, %mul3A_123 : vector<1000x128xf32>
    %add3A_125 = vector.broadcast %get3A_99 : vector<1x128xf32> to vector<1000x128xf32>
    %add3A_126 = arith.addf %mul3A_124, %add3A_125 : vector<1000x128xf32>
    %max3A_127 = arith.constant 0.000000e+00 : f32
    %max3A_128 = vector.broadcast %max3A_127 : f32 to vector<1000x128xf32>
    %max3A_129 = arith.maximumf %add3A_126, %max3A_128 : vector<1000x128xf32>
    %swap3A_130 = arith.constant 0 : index
    %swap3A_131 = arith.constant 0 : index
    %swap3A_132 = vector.load %arg18[%swap3A_130, %swap3A_131] : memref<1000x128xf32, #tpu.memory_space<vmem>>, vector<1000x128xf32>
    tpu.vector_store %arg18[%swap3A_130, %swap3A_131], %max3A_129 {strides = array<i32>} : memref<1000x128xf32, #tpu.memory_space<vmem>>, vector<1000x128xf32>,
    return
  }
  func.func @transform_0(%arg0: i32) -> (i32, i32) {
    %c0_i32 = arith.constant 0 : i32
    %c0_i32_0 = arith.constant 0 : i32
    return %arg0, %c0_i32 : i32, i32
  }
  func.func @transform_1(%arg0: i32) -> (i32, i32) {
    %c0_i32 = arith.constant 0 : i32
    %c0_i32_0 = arith.constant 0 : i32
    return %arg0, %c0_i32 : i32, i32
  }
  func.func @transform_2(%arg0: i32) -> (i32, i32) {
    %c0_i32 = arith.constant 0 : i32
    %c0_i32_0 = arith.constant 0 : i32
    return %arg0, %c0_i32 : i32, i32
  }
  func.func @transform_3(%arg0: i32) -> (i32, i32) {
    %c0_i32 = arith.constant 0 : i32
    %c0_i32_0 = arith.constant 0 : i32
    return %arg0, %c0_i32 : i32, i32
  }
  func.func @transform_4(%arg0: i32) -> (i32, i32) {
    %c0_i32 = arith.constant 0 : i32
    %c0_i32_0 = arith.constant 0 : i32
    return %arg0, %c0_i32 : i32, i32
  }
  func.func @transform_5(%arg0: i32) -> (i32, i32) {
    %c0_i32 = arith.constant 0 : i32
    %c0_i32_0 = arith.constant 0 : i32
    return %arg0, %c0_i32 : i32, i32
  }
  func.func @transform_6(%arg0: i32) -> (i32, i32) {
    %c0_i32 = arith.constant 0 : i32
    %c0_i32_0 = arith.constant 0 : i32
    %c0_i32_1 = arith.constant 0 : i32
    return %c0_i32, %c0_i32_0 : i32, i32
  }
  func.func @transform_7(%arg0: i32) -> (i32, i32) {
    %c0_i32 = arith.constant 0 : i32
    %c0_i32_0 = arith.constant 0 : i32
    %c0_i32_1 = arith.constant 0 : i32
    return %c0_i32, %c0_i32_0 : i32, i32
  }
  func.func @transform_8(%arg0: i32) -> (i32, i32) {
    %c0_i32 = arith.constant 0 : i32
    %c0_i32_0 = arith.constant 0 : i32
    %c0_i32_1 = arith.constant 0 : i32
    return %c0_i32, %c0_i32_0 : i32, i32
  }
  func.func @transform_9(%arg0: i32) -> (i32, i32) {
    %c0_i32 = arith.constant 0 : i32
    %c0_i32_0 = arith.constant 0 : i32
    %c0_i32_1 = arith.constant 0 : i32
    return %c0_i32, %c0_i32_0 : i32, i32
  }
  func.func @transform_10(%arg0: i32) -> (i32, i32) {
    %c0_i32 = arith.constant 0 : i32
    %c0_i32_0 = arith.constant 0 : i32
    %c0_i32_1 = arith.constant 0 : i32
    return %c0_i32, %c0_i32_0 : i32, i32
  }
  func.func @transform_11(%arg0: i32) -> (i32, i32) {
    %c0_i32 = arith.constant 0 : i32
    %c0_i32_0 = arith.constant 0 : i32
    %c0_i32_1 = arith.constant 0 : i32
    return %c0_i32, %c0_i32_0 : i32, i32
  }
  func.func @transform_12(%arg0: i32) -> (i32, i32) {
    %c0_i32 = arith.constant 0 : i32
    %c0_i32_0 = arith.constant 0 : i32
    %c0_i32_1 = arith.constant 0 : i32
    return %c0_i32, %c0_i32_0 : i32, i32
  }
  func.func @transform_13(%arg0: i32) -> (i32, i32) {
    %c0_i32 = arith.constant 0 : i32
    %c0_i32_0 = arith.constant 0 : i32
    %c0_i32_1 = arith.constant 0 : i32
    return %c0_i32, %c0_i32_0 : i32, i32
  }
  func.func @transform_14(%arg0: i32) -> (i32, i32) {
    %c0_i32 = arith.constant 0 : i32
    %c0_i32_0 = arith.constant 0 : i32
    %c0_i32_1 = arith.constant 0 : i32
    return %c0_i32, %c0_i32_0 : i32, i32
  }
  func.func @transform_15(%arg0: i32) -> (i32, i32) {
    %c0_i32 = arith.constant 0 : i32
    %c0_i32_0 = arith.constant 0 : i32
    %c0_i32_1 = arith.constant 0 : i32
    return %c0_i32, %c0_i32_0 : i32, i32
  }
  func.func @transform_16(%arg0: i32) -> (i32, i32) {
    %c0_i32 = arith.constant 0 : i32
    %c0_i32_0 = arith.constant 0 : i32
    return %arg0, %c0_i32 : i32, i32
  }
  func.func @transform_17(%arg0: i32) -> (i32, i32) {
    %c0_i32 = arith.constant 0 : i32
    %c0_i32_0 = arith.constant 0 : i32
    return %arg0, %c0_i32 : i32, i32
  }
}

module attributes {stable_mosaic.version = 14 : i64} {
  func.func @_dense2_body(%arg0: i32, %arg1: memref<1000x128xf32, #tpu.memory_space<vmem>>, %arg2: memref<1000x128xf32, #tpu.memory_space<vmem>>, %arg3: memref<1000x128xf32, #tpu.memory_space<vmem>>, %arg4: memref<1000x128xf32, #tpu.memory_space<vmem>>, %arg5: memref<1000x128xf32, #tpu.memory_space<vmem>>, %arg6: memref<1000x128xf32, #tpu.memory_space<vmem>>, %arg7: memref<128x128xf32, #tpu.memory_space<vmem>>, %arg8: memref<128x128xf32, #tpu.memory_space<vmem>>, %arg9: memref<128x128xf32, #tpu.memory_space<vmem>>, %arg10: memref<128x128xf32, #tpu.memory_space<vmem>>, %arg11: memref<1x128xf32, #tpu.memory_space<vmem>>, %arg12: memref<1x128xf32, #tpu.memory_space<vmem>>, %arg13: memref<1x128xf32, #tpu.memory_space<vmem>>, %arg14: memref<1x128xf32, #tpu.memory_space<vmem>>, %arg15: memref<1x128xf32, #tpu.memory_space<vmem>>, %arg16: memref<1x128xf32, #tpu.memory_space<vmem>>, %arg17: memref<128x128xf32, #tpu.memory_space<vmem>>, %arg18: memref<128x128xf32, #tpu.memory_space<vmem>>, %arg19: memref<128x128xf32, #tpu.memory_space<vmem>>, %arg20: memref<128x128xf32, #tpu.memory_space<vmem>>, %arg21: memref<1x128xf32, #tpu.memory_space<vmem>>, %arg22: memref<1x128xf32, #tpu.memory_space<vmem>>, %arg23: memref<1x128xf32, #tpu.memory_space<vmem>>, %arg24: memref<1x128xf32, #tpu.memory_space<vmem>>, %arg25: memref<1x128xf32, #tpu.memory_space<vmem>>, %arg26: memref<1x128xf32, #tpu.memory_space<vmem>>, %arg27: memref<1000x128xf32, #tpu.memory_space<vmem>>, %arg28: memref<1000x128xf32, #tpu.memory_space<vmem>>) attributes {dimension_semantics = [#tpu.dimension_semantics<arbitrary>], iteration_bounds = array<i64: 10>, scalar_prefetch = 0 : i64, scratch_operands = 0 : i64, tpu.core_type = #tpu.core_type<tc>, window_params = [{transform_indices = @transform_0, window_bounds = array<i64: 1000, 128>}, {transform_indices = @transform_1, window_bounds = array<i64: 1000, 128>}, {transform_indices = @transform_2, window_bounds = array<i64: 1000, 128>}, {transform_indices = @transform_3, window_bounds = array<i64: 1000, 128>}, {transform_indices = @transform_4, window_bounds = array<i64: 1000, 128>}, {transform_indices = @transform_5, window_bounds = array<i64: 1000, 128>}, {pipeline_mode = #tpu.pipeline_mode<synchronous>, transform_indices = @transform_6, window_bounds = array<i64: 128, 128>}, {pipeline_mode = #tpu.pipeline_mode<synchronous>, transform_indices = @transform_7, window_bounds = array<i64: 128, 128>}, {pipeline_mode = #tpu.pipeline_mode<synchronous>, transform_indices = @transform_8, window_bounds = array<i64: 128, 128>}, {pipeline_mode = #tpu.pipeline_mode<synchronous>, transform_indices = @transform_9, window_bounds = array<i64: 128, 128>}, {pipeline_mode = #tpu.pipeline_mode<synchronous>, transform_indices = @transform_10, window_bounds = array<i64: 1, 128>}, {pipeline_mode = #tpu.pipeline_mode<synchronous>, transform_indices = @transform_11, window_bounds = array<i64: 1, 128>}, {pipeline_mode = #tpu.pipeline_mode<synchronous>, transform_indices = @transform_12, window_bounds = array<i64: 1, 128>}, {pipeline_mode = #tpu.pipeline_mode<synchronous>, transform_indices = @transform_13, window_bounds = array<i64: 1, 128>}, {pipeline_mode = #tpu.pipeline_mode<synchronous>, transform_indices = @transform_14, window_bounds = array<i64: 1, 128>}, {pipeline_mode = #tpu.pipeline_mode<synchronous>, transform_indices = @transform_15, window_bounds = array<i64: 1, 128>}, {pipeline_mode = #tpu.pipeline_mode<synchronous>, transform_indices = @transform_16, window_bounds = array<i64: 128, 128>}, {pipeline_mode = #tpu.pipeline_mode<synchronous>, transform_indices = @transform_17, window_bounds = array<i64: 128, 128>}, {pipeline_mode = #tpu.pipeline_mode<synchronous>, transform_indices = @transform_18, window_bounds = array<i64: 128, 128>}, {pipeline_mode = #tpu.pipeline_mode<synchronous>, transform_indices = @transform_19, window_bounds = array<i64: 128, 128>}, {pipeline_mode = #tpu.pipeline_mode<synchronous>, transform_indices = @transform_20, window_bounds = array<i64: 1, 128>}, {pipeline_mode = #tpu.pipeline_mode<synchronous>, transform_indices = @transform_21, window_bounds = array<i64: 1, 128>}, {pipeline_mode = #tpu.pipeline_mode<synchronous>, transform_indices = @transform_22, window_bounds = array<i64: 1, 128>}, {pipeline_mode = #tpu.pipeline_mode<synchronous>, transform_indices = @transform_23, window_bounds = array<i64: 1, 128>}, {pipeline_mode = #tpu.pipeline_mode<synchronous>, transform_indices = @transform_24, window_bounds = array<i64: 1, 128>}, {pipeline_mode = #tpu.pipeline_mode<synchronous>, transform_indices = @transform_25, window_bounds = array<i64: 1, 128>}, {transform_indices = @transform_26, window_bounds = array<i64: 1000, 128>}, {transform_indices = @transform_27, window_bounds = array<i64: 1000, 128>}]} {
    %get3A = arith.constant 0 : index
    %get3A_0 = arith.constant 0 : index
    %get3A_1 = vector.load %arg1[%get3A, %get3A_0] : memref<1000x128xf32, #tpu.memory_space<vmem>>, vector<1000x128xf32>
    %get3A_2 = arith.constant 0 : index
    %get3A_3 = arith.constant 0 : index
    %get3A_4 = vector.load %arg5[%get3A_2, %get3A_3] : memref<1000x128xf32, #tpu.memory_space<vmem>>, vector<1000x128xf32>
    %slice3A = vector.extract_strided_slice %get3A_4 {offsets = [0, 0], sizes = [1000, 1], strides = [1, 1]} : vector<1000x128xf32> to vector<1000x1xf32>
    %get3A_5 = arith.constant 0 : index
    %get3A_6 = arith.constant 0 : index
    %get3A_7 = vector.load %arg3[%get3A_5, %get3A_6] : memref<1000x128xf32, #tpu.memory_space<vmem>>, vector<1000x128xf32>
    %max3A = arith.constant 1.000000e+00 : f32
    %max3A_8 = vector.broadcast %max3A : f32 to vector<1000x1xf32>
    %max3A_9 = arith.maximumf %slice3A, %max3A_8 : vector<1000x1xf32>
    %div3A = arith.constant 1.000000e+00 : f32
    %div3A_10 = vector.broadcast %div3A : f32 to vector<1000x1xf32>
    %div3A_11 = arith.divf %div3A_10, %max3A_9 : vector<1000x1xf32>
    %mul3A = vector.broadcast %div3A_11 : vector<1000x1xf32> to vector<1000x128xf32>
    %mul3A_12 = arith.mulf %get3A_7, %mul3A : vector<1000x128xf32>
    %get3A_13 = arith.constant 0 : index
    %get3A_14 = arith.constant 0 : index
    %get3A_15 = vector.load %arg7[%get3A_13, %get3A_14] : memref<128x128xf32, #tpu.memory_space<vmem>>, vector<128x128xf32>
    %dot_general3A = arith.constant dense<0.000000e+00> : vector<1000x128xf32>
    %dot_general3A_16 = tpu.matmul %get3A_1, %get3A_15, %dot_general3A {dimension_numbers = #tpu.dot_dimension_numbers<[1], [0], [0], [1], [0, 0, 1, 1], [], []>, transpose_lhs_hint = false} : vector<1000x128xf32>, vector<128x128xf32>, vector<1000x128xf32> -> vector<1000x128xf32>
    %get3A_17 = arith.constant 0 : index
    %get3A_18 = arith.constant 0 : index
    %get3A_19 = vector.load %arg10[%get3A_17, %get3A_18] : memref<128x128xf32, #tpu.memory_space<vmem>>, vector<128x128xf32>
    %dot_general3A_20 = arith.constant dense<0.000000e+00> : vector<1000x128xf32>
    %dot_general3A_21 = tpu.matmul %mul3A_12, %get3A_19, %dot_general3A_20 {dimension_numbers = #tpu.dot_dimension_numbers<[1], [0], [0], [1], [0, 0, 1, 1], [], []>, transpose_lhs_hint = false} : vector<1000x128xf32>, vector<128x128xf32>, vector<1000x128xf32> -> vector<1000x128xf32>
    %add3A = arith.addf %dot_general3A_16, %dot_general3A_21 : vector<1000x128xf32>
    %get3A_22 = arith.constant 0 : index
    %get3A_23 = arith.constant 0 : index
    %get3A_24 = vector.load %arg11[%get3A_22, %get3A_23] : memref<1x128xf32, #tpu.memory_space<vmem>>, vector<1x128xf32>
    %add3A_25 = vector.broadcast %get3A_24 : vector<1x128xf32> to vector<1000x128xf32>
    %add3A_26 = arith.addf %add3A, %add3A_25 : vector<1000x128xf32>
    %get3A_27 = arith.constant 0 : index
    %get3A_28 = arith.constant 0 : index
    %get3A_29 = vector.load %arg13[%get3A_27, %get3A_28] : memref<1x128xf32, #tpu.memory_space<vmem>>, vector<1x128xf32>
    %get3A_30 = arith.constant 0 : index
    %get3A_31 = arith.constant 0 : index
    %get3A_32 = vector.load %arg14[%get3A_30, %get3A_31] : memref<1x128xf32, #tpu.memory_space<vmem>>, vector<1x128xf32>
    %reduce_sum3A = arith.constant dense<0.000000e+00> : vector<1000xf32>
    %reduce_sum3A_33 = vector.multi_reduction <add>, %add3A_26, %reduce_sum3A [1] : vector<1000x128xf32> to vector<1000xf32>
    %broadcast_in_dim3A = vector.shape_cast %reduce_sum3A_33 : vector<1000xf32> to vector<1000x1xf32>
    %div3A_34 = arith.constant 1.280000e+02 : f32
    %div3A_35 = vector.broadcast %div3A_34 : f32 to vector<1000x1xf32>
    %div3A_36 = arith.divf %broadcast_in_dim3A, %div3A_35 : vector<1000x1xf32>
    %sub3A = vector.broadcast %div3A_36 : vector<1000x1xf32> to vector<1000x128xf32>
    %sub3A_37 = arith.subf %add3A_26, %sub3A : vector<1000x128xf32>
    %integer_pow3A = arith.mulf %sub3A_37, %sub3A_37 : vector<1000x128xf32>
    %reduce_sum3A_38 = arith.constant dense<0.000000e+00> : vector<1000xf32>
    %reduce_sum3A_39 = vector.multi_reduction <add>, %integer_pow3A, %reduce_sum3A_38 [1] : vector<1000x128xf32> to vector<1000xf32>
    %broadcast_in_dim3A_40 = vector.shape_cast %reduce_sum3A_39 : vector<1000xf32> to vector<1000x1xf32>
    %div3A_41 = arith.constant 1.280000e+02 : f32
    %div3A_42 = vector.broadcast %div3A_41 : f32 to vector<1000x1xf32>
    %div3A_43 = arith.divf %broadcast_in_dim3A_40, %div3A_42 : vector<1000x1xf32>
    %sub3A_44 = vector.broadcast %div3A_36 : vector<1000x1xf32> to vector<1000x128xf32>
    %sub3A_45 = arith.subf %add3A_26, %sub3A_44 : vector<1000x128xf32>
    %add3A_46 = arith.constant 9.99999974E-6 : f32
    %add3A_47 = vector.broadcast %add3A_46 : f32 to vector<1000x1xf32>
    %add3A_48 = arith.addf %div3A_43, %add3A_47 : vector<1000x1xf32>
    %sqrt3A = math.sqrt %add3A_48 : vector<1000x1xf32>
    %div3A_49 = vector.broadcast %sqrt3A : vector<1000x1xf32> to vector<1000x128xf32>
    %div3A_50 = arith.divf %sub3A_45, %div3A_49 : vector<1000x128xf32>
    %mul3A_51 = vector.broadcast %get3A_29 : vector<1x128xf32> to vector<1000x128xf32>
    %mul3A_52 = arith.mulf %div3A_50, %mul3A_51 : vector<1000x128xf32>
    %add3A_53 = vector.broadcast %get3A_32 : vector<1x128xf32> to vector<1000x128xf32>
    %add3A_54 = arith.addf %mul3A_52, %add3A_53 : vector<1000x128xf32>
    %max3A_55 = arith.constant 0.000000e+00 : f32
    %max3A_56 = vector.broadcast %max3A_55 : f32 to vector<1000x128xf32>
    %max3A_57 = arith.maximumf %add3A_54, %max3A_56 : vector<1000x128xf32>
    %get3A_58 = arith.constant 0 : index
    %get3A_59 = arith.constant 0 : index
    %get3A_60 = vector.load %arg2[%get3A_58, %get3A_59] : memref<1000x128xf32, #tpu.memory_space<vmem>>, vector<1000x128xf32>
    %get3A_61 = arith.constant 0 : index
    %get3A_62 = arith.constant 0 : index
    %get3A_63 = vector.load %arg6[%get3A_61, %get3A_62] : memref<1000x128xf32, #tpu.memory_space<vmem>>, vector<1000x128xf32>
    %slice3A_64 = vector.extract_strided_slice %get3A_63 {offsets = [0, 0], sizes = [1000, 1], strides = [1, 1]} : vector<1000x128xf32> to vector<1000x1xf32>
    %get3A_65 = arith.constant 0 : index
    %get3A_66 = arith.constant 0 : index
    %get3A_67 = vector.load %arg4[%get3A_65, %get3A_66] : memref<1000x128xf32, #tpu.memory_space<vmem>>, vector<1000x128xf32>
    %max3A_68 = arith.constant 1.000000e+00 : f32
    %max3A_69 = vector.broadcast %max3A_68 : f32 to vector<1000x1xf32>
    %max3A_70 = arith.maximumf %slice3A_64, %max3A_69 : vector<1000x1xf32>
    %div3A_71 = arith.constant 1.000000e+00 : f32
    %div3A_72 = vector.broadcast %div3A_71 : f32 to vector<1000x1xf32>
    %div3A_73 = arith.divf %div3A_72, %max3A_70 : vector<1000x1xf32>
    %mul3A_74 = vector.broadcast %div3A_73 : vector<1000x1xf32> to vector<1000x128xf32>
    %mul3A_75 = arith.mulf %get3A_67, %mul3A_74 : vector<1000x128xf32>
    %get3A_76 = arith.constant 0 : index
    %get3A_77 = arith.constant 0 : index
    %get3A_78 = vector.load %arg8[%get3A_76, %get3A_77] : memref<128x128xf32, #tpu.memory_space<vmem>>, vector<128x128xf32>
    %dot_general3A_79 = arith.constant dense<0.000000e+00> : vector<1000x128xf32>
    %dot_general3A_80 = tpu.matmul %get3A_60, %get3A_78, %dot_general3A_79 {dimension_numbers = #tpu.dot_dimension_numbers<[1], [0], [0], [1], [0, 0, 1, 1], [], []>, transpose_lhs_hint = false} : vector<1000x128xf32>, vector<128x128xf32>, vector<1000x128xf32> -> vector<1000x128xf32>
    %get3A_81 = arith.constant 0 : index
    %get3A_82 = arith.constant 0 : index
    %get3A_83 = vector.load %arg9[%get3A_81, %get3A_82] : memref<128x128xf32, #tpu.memory_space<vmem>>, vector<128x128xf32>
    %dot_general3A_84 = arith.constant dense<0.000000e+00> : vector<1000x128xf32>
    %dot_general3A_85 = tpu.matmul %mul3A_75, %get3A_83, %dot_general3A_84 {dimension_numbers = #tpu.dot_dimension_numbers<[1], [0], [0], [1], [0, 0, 1, 1], [], []>, transpose_lhs_hint = false} : vector<1000x128xf32>, vector<128x128xf32>, vector<1000x128xf32> -> vector<1000x128xf32>
    %add3A_86 = arith.addf %dot_general3A_80, %dot_general3A_85 : vector<1000x128xf32>
    %get3A_87 = arith.constant 0 : index
    %get3A_88 = arith.constant 0 : index
    %get3A_89 = vector.load %arg12[%get3A_87, %get3A_88] : memref<1x128xf32, #tpu.memory_space<vmem>>, vector<1x128xf32>
    %add3A_90 = vector.broadcast %get3A_89 : vector<1x128xf32> to vector<1000x128xf32>
    %add3A_91 = arith.addf %add3A_86, %add3A_90 : vector<1000x128xf32>
    %get3A_92 = arith.constant 0 : index
    %get3A_93 = arith.constant 0 : index
    %get3A_94 = vector.load %arg15[%get3A_92, %get3A_93] : memref<1x128xf32, #tpu.memory_space<vmem>>, vector<1x128xf32>
    %get3A_95 = arith.constant 0 : index
    %get3A_96 = arith.constant 0 : index
    %get3A_97 = vector.load %arg16[%get3A_95, %get3A_96] : memref<1x128xf32, #tpu.memory_space<vmem>>, vector<1x128xf32>
    %reduce_sum3A_98 = arith.constant dense<0.000000e+00> : vector<1000xf32>
    %reduce_sum3A_99 = vector.multi_reduction <add>, %add3A_91, %reduce_sum3A_98 [1] : vector<1000x128xf32> to vector<1000xf32>
    %broadcast_in_dim3A_100 = vector.shape_cast %reduce_sum3A_99 : vector<1000xf32> to vector<1000x1xf32>
    %div3A_101 = arith.constant 1.280000e+02 : f32
    %div3A_102 = vector.broadcast %div3A_101 : f32 to vector<1000x1xf32>
    %div3A_103 = arith.divf %broadcast_in_dim3A_100, %div3A_102 : vector<1000x1xf32>
    %sub3A_104 = vector.broadcast %div3A_103 : vector<1000x1xf32> to vector<1000x128xf32>
    %sub3A_105 = arith.subf %add3A_91, %sub3A_104 : vector<1000x128xf32>
    %integer_pow3A_106 = arith.mulf %sub3A_105, %sub3A_105 : vector<1000x128xf32>
    %reduce_sum3A_107 = arith.constant dense<0.000000e+00> : vector<1000xf32>
    %reduce_sum3A_108 = vector.multi_reduction <add>, %integer_pow3A_106, %reduce_sum3A_107 [1] : vector<1000x128xf32> to vector<1000xf32>
    %broadcast_in_dim3A_109 = vector.shape_cast %reduce_sum3A_108 : vector<1000xf32> to vector<1000x1xf32>
    %div3A_110 = arith.constant 1.280000e+02 : f32
    %div3A_111 = vector.broadcast %div3A_110 : f32 to vector<1000x1xf32>
    %div3A_112 = arith.divf %broadcast_in_dim3A_109, %div3A_111 : vector<1000x1xf32>
    %sub3A_113 = vector.broadcast %div3A_103 : vector<1000x1xf32> to vector<1000x128xf32>
    %sub3A_114 = arith.subf %add3A_91, %sub3A_113 : vector<1000x128xf32>
    %add3A_115 = arith.constant 9.99999974E-6 : f32
    %add3A_116 = vector.broadcast %add3A_115 : f32 to vector<1000x1xf32>
    %add3A_117 = arith.addf %div3A_112, %add3A_116 : vector<1000x1xf32>
    %sqrt3A_118 = math.sqrt %add3A_117 : vector<1000x1xf32>
    %div3A_119 = vector.broadcast %sqrt3A_118 : vector<1000x1xf32> to vector<1000x128xf32>
    %div3A_120 = arith.divf %sub3A_114, %div3A_119 : vector<1000x128xf32>
    %mul3A_121 = vector.broadcast %get3A_94 : vector<1x128xf32> to vector<1000x128xf32>
    %mul3A_122 = arith.mulf %div3A_120, %mul3A_121 : vector<1000x128xf32>
    %add3A_123 = vector.broadcast %get3A_97 : vector<1x128xf32> to vector<1000x128xf32>
    %add3A_124 = arith.addf %mul3A_122, %add3A_123 : vector<1000x128xf32>
    %max3A_125 = arith.constant 0.000000e+00 : f32
    %max3A_126 = vector.broadcast %max3A_125 : f32 to vector<1000x128xf32>
    %max3A_127 = arith.maximumf %add3A_124, %max3A_126 : vector<1000x128xf32>
    %get3A_128 = arith.constant 0 : index
    %get3A_129 = arith.constant 0 : index
    %get3A_130 = vector.load %arg1[%get3A_128, %get3A_129] : memref<1000x128xf32, #tpu.memory_space<vmem>>, vector<1000x128xf32>
    %get3A_131 = arith.constant 0 : index
    %get3A_132 = arith.constant 0 : index
    %get3A_133 = vector.load %arg17[%get3A_131, %get3A_132] : memref<128x128xf32, #tpu.memory_space<vmem>>, vector<128x128xf32>
    %dot_general3A_134 = arith.constant dense<0.000000e+00> : vector<1000x128xf32>
    %dot_general3A_135 = tpu.matmul %get3A_130, %get3A_133, %dot_general3A_134 {dimension_numbers = #tpu.dot_dimension_numbers<[1], [0], [0], [1], [0, 0, 1, 1], [], []>, transpose_lhs_hint = false} : vector<1000x128xf32>, vector<128x128xf32>, vector<1000x128xf32> -> vector<1000x128xf32>
    %get3A_136 = arith.constant 0 : index
    %get3A_137 = arith.constant 0 : index
    %get3A_138 = vector.load %arg18[%get3A_136, %get3A_137] : memref<128x128xf32, #tpu.memory_space<vmem>>, vector<128x128xf32>
    %dot_general3A_139 = arith.constant dense<0.000000e+00> : vector<1000x128xf32>
    %dot_general3A_140 = tpu.matmul %max3A_57, %get3A_138, %dot_general3A_139 {dimension_numbers = #tpu.dot_dimension_numbers<[1], [0], [0], [1], [0, 0, 1, 1], [], []>, transpose_lhs_hint = false} : vector<1000x128xf32>, vector<128x128xf32>, vector<1000x128xf32> -> vector<1000x128xf32>
    %add3A_141 = arith.addf %dot_general3A_135, %dot_general3A_140 : vector<1000x128xf32>
    %get3A_142 = arith.constant 0 : index
    %get3A_143 = arith.constant 0 : index
    %get3A_144 = vector.load %arg21[%get3A_142, %get3A_143] : memref<1x128xf32, #tpu.memory_space<vmem>>, vector<1x128xf32>
    %add3A_145 = vector.broadcast %get3A_144 : vector<1x128xf32> to vector<1000x128xf32>
    %add3A_146 = arith.addf %add3A_141, %add3A_145 : vector<1000x128xf32>
    %get3A_147 = arith.constant 0 : index
    %get3A_148 = arith.constant 0 : index
    %get3A_149 = vector.load %arg2[%get3A_147, %get3A_148] : memref<1000x128xf32, #tpu.memory_space<vmem>>, vector<1000x128xf32>
    %get3A_150 = arith.constant 0 : index
    %get3A_151 = arith.constant 0 : index
    %get3A_152 = vector.load %arg19[%get3A_150, %get3A_151] : memref<128x128xf32, #tpu.memory_space<vmem>>, vector<128x128xf32>
    %dot_general3A_153 = arith.constant dense<0.000000e+00> : vector<1000x128xf32>
    %dot_general3A_154 = tpu.matmul %get3A_149, %get3A_152, %dot_general3A_153 {dimension_numbers = #tpu.dot_dimension_numbers<[1], [0], [0], [1], [0, 0, 1, 1], [], []>, transpose_lhs_hint = false} : vector<1000x128xf32>, vector<128x128xf32>, vector<1000x128xf32> -> vector<1000x128xf32>
    %get3A_155 = arith.constant 0 : index
    %get3A_156 = arith.constant 0 : index
    %get3A_157 = vector.load %arg20[%get3A_155, %get3A_156] : memref<128x128xf32, #tpu.memory_space<vmem>>, vector<128x128xf32>
    %dot_general3A_158 = arith.constant dense<0.000000e+00> : vector<1000x128xf32>
    %dot_general3A_159 = tpu.matmul %max3A_127, %get3A_157, %dot_general3A_158 {dimension_numbers = #tpu.dot_dimension_numbers<[1], [0], [0], [1], [0, 0, 1, 1], [], []>, transpose_lhs_hint = false} : vector<1000x128xf32>, vector<128x128xf32>, vector<1000x128xf32> -> vector<1000x128xf32>
    %add3A_160 = arith.addf %dot_general3A_154, %dot_general3A_159 : vector<1000x128xf32>
    %get3A_161 = arith.constant 0 : index
    %get3A_162 = arith.constant 0 : index
    %get3A_163 = vector.load %arg22[%get3A_161, %get3A_162] : memref<1x128xf32, #tpu.memory_space<vmem>>, vector<1x128xf32>
    %add3A_164 = vector.broadcast %get3A_163 : vector<1x128xf32> to vector<1000x128xf32>
    %add3A_165 = arith.addf %add3A_160, %add3A_164 : vector<1000x128xf32>
    %get3A_166 = arith.constant 0 : index
    %get3A_167 = arith.constant 0 : index
    %get3A_168 = vector.load %arg23[%get3A_166, %get3A_167] : memref<1x128xf32, #tpu.memory_space<vmem>>, vector<1x128xf32>
    %get3A_169 = arith.constant 0 : index
    %get3A_170 = arith.constant 0 : index
    %get3A_171 = vector.load %arg24[%get3A_169, %get3A_170] : memref<1x128xf32, #tpu.memory_space<vmem>>, vector<1x128xf32>
    %reduce_sum3A_172 = arith.constant dense<0.000000e+00> : vector<1000xf32>
    %reduce_sum3A_173 = vector.multi_reduction <add>, %add3A_146, %reduce_sum3A_172 [1] : vector<1000x128xf32> to vector<1000xf32>
    %broadcast_in_dim3A_174 = vector.shape_cast %reduce_sum3A_173 : vector<1000xf32> to vector<1000x1xf32>
    %div3A_175 = arith.constant 1.280000e+02 : f32
    %div3A_176 = vector.broadcast %div3A_175 : f32 to vector<1000x1xf32>
    %div3A_177 = arith.divf %broadcast_in_dim3A_174, %div3A_176 : vector<1000x1xf32>
    %sub3A_178 = vector.broadcast %div3A_177 : vector<1000x1xf32> to vector<1000x128xf32>
    %sub3A_179 = arith.subf %add3A_146, %sub3A_178 : vector<1000x128xf32>
    %integer_pow3A_180 = arith.mulf %sub3A_179, %sub3A_179 : vector<1000x128xf32>
    %reduce_sum3A_181 = arith.constant dense<0.000000e+00> : vector<1000xf32>
    %reduce_sum3A_182 = vector.multi_reduction <add>, %integer_pow3A_180, %reduce_sum3A_181 [1] : vector<1000x128xf32> to vector<1000xf32>
    %broadcast_in_dim3A_183 = vector.shape_cast %reduce_sum3A_182 : vector<1000xf32> to vector<1000x1xf32>
    %div3A_184 = arith.constant 1.280000e+02 : f32
    %div3A_185 = vector.broadcast %div3A_184 : f32 to vector<1000x1xf32>
    %div3A_186 = arith.divf %broadcast_in_dim3A_183, %div3A_185 : vector<1000x1xf32>
    %sub3A_187 = vector.broadcast %div3A_177 : vector<1000x1xf32> to vector<1000x128xf32>
    %sub3A_188 = arith.subf %add3A_146, %sub3A_187 : vector<1000x128xf32>
    %add3A_189 = arith.constant 9.99999974E-6 : f32
    %add3A_190 = vector.broadcast %add3A_189 : f32 to vector<1000x1xf32>
    %add3A_191 = arith.addf %div3A_186, %add3A_190 : vector<1000x1xf32>
    %sqrt3A_192 = math.sqrt %add3A_191 : vector<1000x1xf32>
    %div3A_193 = vector.broadcast %sqrt3A_192 : vector<1000x1xf32> to vector<1000x128xf32>
    %div3A_194 = arith.divf %sub3A_188, %div3A_193 : vector<1000x128xf32>
    %mul3A_195 = vector.broadcast %get3A_168 : vector<1x128xf32> to vector<1000x128xf32>
    %mul3A_196 = arith.mulf %div3A_194, %mul3A_195 : vector<1000x128xf32>
    %add3A_197 = vector.broadcast %get3A_171 : vector<1x128xf32> to vector<1000x128xf32>
    %add3A_198 = arith.addf %mul3A_196, %add3A_197 : vector<1000x128xf32>
    %max3A_199 = arith.constant 0.000000e+00 : f32
    %max3A_200 = vector.broadcast %max3A_199 : f32 to vector<1000x128xf32>
    %max3A_201 = arith.maximumf %add3A_198, %max3A_200 : vector<1000x128xf32>
    %swap3A = arith.constant 0 : index
    %swap3A_202 = arith.constant 0 : index
    %swap3A_203 = vector.load %arg27[%swap3A, %swap3A_202] : memref<1000x128xf32, #tpu.memory_space<vmem>>, vector<1000x128xf32>
    tpu.vector_store %arg27[%swap3A, %swap3A_202], %max3A_201 {strides = array<i32>} : memref<1000x128xf32, #tpu.memory_space<vmem>>, vector<1000x128xf32>,
    %get3A_204 = arith.constant 0 : index
    %get3A_205 = arith.constant 0 : index
    %get3A_206 = vector.load %arg25[%get3A_204, %get3A_205] : memref<1x128xf32, #tpu.memory_space<vmem>>, vector<1x128xf32>
    %get3A_207 = arith.constant 0 : index
    %get3A_208 = arith.constant 0 : index
    %get3A_209 = vector.load %arg26[%get3A_207, %get3A_208] : memref<1x128xf32, #tpu.memory_space<vmem>>, vector<1x128xf32>
    %reduce_sum3A_210 = arith.constant dense<0.000000e+00> : vector<1000xf32>
    %reduce_sum3A_211 = vector.multi_reduction <add>, %add3A_165, %reduce_sum3A_210 [1] : vector<1000x128xf32> to vector<1000xf32>
    %broadcast_in_dim3A_212 = vector.shape_cast %reduce_sum3A_211 : vector<1000xf32> to vector<1000x1xf32>
    %div3A_213 = arith.constant 1.280000e+02 : f32
    %div3A_214 = vector.broadcast %div3A_213 : f32 to vector<1000x1xf32>
    %div3A_215 = arith.divf %broadcast_in_dim3A_212, %div3A_214 : vector<1000x1xf32>
    %sub3A_216 = vector.broadcast %div3A_215 : vector<1000x1xf32> to vector<1000x128xf32>
    %sub3A_217 = arith.subf %add3A_165, %sub3A_216 : vector<1000x128xf32>
    %integer_pow3A_218 = arith.mulf %sub3A_217, %sub3A_217 : vector<1000x128xf32>
    %reduce_sum3A_219 = arith.constant dense<0.000000e+00> : vector<1000xf32>
    %reduce_sum3A_220 = vector.multi_reduction <add>, %integer_pow3A_218, %reduce_sum3A_219 [1] : vector<1000x128xf32> to vector<1000xf32>
    %broadcast_in_dim3A_221 = vector.shape_cast %reduce_sum3A_220 : vector<1000xf32> to vector<1000x1xf32>
    %div3A_222 = arith.constant 1.280000e+02 : f32
    %div3A_223 = vector.broadcast %div3A_222 : f32 to vector<1000x1xf32>
    %div3A_224 = arith.divf %broadcast_in_dim3A_221, %div3A_223 : vector<1000x1xf32>
    %sub3A_225 = vector.broadcast %div3A_215 : vector<1000x1xf32> to vector<1000x128xf32>
    %sub3A_226 = arith.subf %add3A_165, %sub3A_225 : vector<1000x128xf32>
    %add3A_227 = arith.constant 9.99999974E-6 : f32
    %add3A_228 = vector.broadcast %add3A_227 : f32 to vector<1000x1xf32>
    %add3A_229 = arith.addf %div3A_224, %add3A_228 : vector<1000x1xf32>
    %sqrt3A_230 = math.sqrt %add3A_229 : vector<1000x1xf32>
    %div3A_231 = vector.broadcast %sqrt3A_230 : vector<1000x1xf32> to vector<1000x128xf32>
    %div3A_232 = arith.divf %sub3A_226, %div3A_231 : vector<1000x128xf32>
    %mul3A_233 = vector.broadcast %get3A_206 : vector<1x128xf32> to vector<1000x128xf32>
    %mul3A_234 = arith.mulf %div3A_232, %mul3A_233 : vector<1000x128xf32>
    %add3A_235 = vector.broadcast %get3A_209 : vector<1x128xf32> to vector<1000x128xf32>
    %add3A_236 = arith.addf %mul3A_234, %add3A_235 : vector<1000x128xf32>
    %max3A_237 = arith.constant 0.000000e+00 : f32
    %max3A_238 = vector.broadcast %max3A_237 : f32 to vector<1000x128xf32>
    %max3A_239 = arith.maximumf %add3A_236, %max3A_238 : vector<1000x128xf32>
    %swap3A_240 = arith.constant 0 : index
    %swap3A_241 = arith.constant 0 : index
    %swap3A_242 = vector.load %arg28[%swap3A_240, %swap3A_241] : memref<1000x128xf32, #tpu.memory_space<vmem>>, vector<1000x128xf32>
    tpu.vector_store %arg28[%swap3A_240, %swap3A_241], %max3A_239 {strides = array<i32>} : memref<1000x128xf32, #tpu.memory_space<vmem>>, vector<1000x128xf32>,
    return
  }
  func.func @transform_0(%arg0: i32) -> (i32, i32) {
    %c0_i32 = arith.constant 0 : i32
    %c0_i32_0 = arith.constant 0 : i32
    return %arg0, %c0_i32 : i32, i32
  }
  func.func @transform_1(%arg0: i32) -> (i32, i32) {
    %c0_i32 = arith.constant 0 : i32
    %c0_i32_0 = arith.constant 0 : i32
    return %arg0, %c0_i32 : i32, i32
  }
  func.func @transform_2(%arg0: i32) -> (i32, i32) {
    %c0_i32 = arith.constant 0 : i32
    %c0_i32_0 = arith.constant 0 : i32
    return %arg0, %c0_i32 : i32, i32
  }
  func.func @transform_3(%arg0: i32) -> (i32, i32) {
    %c0_i32 = arith.constant 0 : i32
    %c0_i32_0 = arith.constant 0 : i32
    return %arg0, %c0_i32 : i32, i32
  }
  func.func @transform_4(%arg0: i32) -> (i32, i32) {
    %c0_i32 = arith.constant 0 : i32
    %c0_i32_0 = arith.constant 0 : i32
    return %arg0, %c0_i32 : i32, i32
  }
  func.func @transform_5(%arg0: i32) -> (i32, i32) {
    %c0_i32 = arith.constant 0 : i32
    %c0_i32_0 = arith.constant 0 : i32
    return %arg0, %c0_i32 : i32, i32
  }
  func.func @transform_6(%arg0: i32) -> (i32, i32) {
    %c0_i32 = arith.constant 0 : i32
    %c0_i32_0 = arith.constant 0 : i32
    %c0_i32_1 = arith.constant 0 : i32
    return %c0_i32, %c0_i32_0 : i32, i32
  }
  func.func @transform_7(%arg0: i32) -> (i32, i32) {
    %c0_i32 = arith.constant 0 : i32
    %c0_i32_0 = arith.constant 0 : i32
    %c0_i32_1 = arith.constant 0 : i32
    return %c0_i32, %c0_i32_0 : i32, i32
  }
  func.func @transform_8(%arg0: i32) -> (i32, i32) {
    %c0_i32 = arith.constant 0 : i32
    %c0_i32_0 = arith.constant 0 : i32
    %c0_i32_1 = arith.constant 0 : i32
    return %c0_i32, %c0_i32_0 : i32, i32
  }
  func.func @transform_9(%arg0: i32) -> (i32, i32) {
    %c0_i32 = arith.constant 0 : i32
    %c0_i32_0 = arith.constant 0 : i32
    %c0_i32_1 = arith.constant 0 : i32
    return %c0_i32, %c0_i32_0 : i32, i32
  }
  func.func @transform_10(%arg0: i32) -> (i32, i32) {
    %c0_i32 = arith.constant 0 : i32
    %c0_i32_0 = arith.constant 0 : i32
    %c0_i32_1 = arith.constant 0 : i32
    return %c0_i32, %c0_i32_0 : i32, i32
  }
  func.func @transform_11(%arg0: i32) -> (i32, i32) {
    %c0_i32 = arith.constant 0 : i32
    %c0_i32_0 = arith.constant 0 : i32
    %c0_i32_1 = arith.constant 0 : i32
    return %c0_i32, %c0_i32_0 : i32, i32
  }
  func.func @transform_12(%arg0: i32) -> (i32, i32) {
    %c0_i32 = arith.constant 0 : i32
    %c0_i32_0 = arith.constant 0 : i32
    %c0_i32_1 = arith.constant 0 : i32
    return %c0_i32, %c0_i32_0 : i32, i32
  }
  func.func @transform_13(%arg0: i32) -> (i32, i32) {
    %c0_i32 = arith.constant 0 : i32
    %c0_i32_0 = arith.constant 0 : i32
    %c0_i32_1 = arith.constant 0 : i32
    return %c0_i32, %c0_i32_0 : i32, i32
  }
  func.func @transform_14(%arg0: i32) -> (i32, i32) {
    %c0_i32 = arith.constant 0 : i32
    %c0_i32_0 = arith.constant 0 : i32
    %c0_i32_1 = arith.constant 0 : i32
    return %c0_i32, %c0_i32_0 : i32, i32
  }
  func.func @transform_15(%arg0: i32) -> (i32, i32) {
    %c0_i32 = arith.constant 0 : i32
    %c0_i32_0 = arith.constant 0 : i32
    %c0_i32_1 = arith.constant 0 : i32
    return %c0_i32, %c0_i32_0 : i32, i32
  }
  func.func @transform_16(%arg0: i32) -> (i32, i32) {
    %c0_i32 = arith.constant 0 : i32
    %c0_i32_0 = arith.constant 0 : i32
    %c0_i32_1 = arith.constant 0 : i32
    return %c0_i32, %c0_i32_0 : i32, i32
  }
  func.func @transform_17(%arg0: i32) -> (i32, i32) {
    %c0_i32 = arith.constant 0 : i32
    %c0_i32_0 = arith.constant 0 : i32
    %c0_i32_1 = arith.constant 0 : i32
    return %c0_i32, %c0_i32_0 : i32, i32
  }
  func.func @transform_18(%arg0: i32) -> (i32, i32) {
    %c0_i32 = arith.constant 0 : i32
    %c0_i32_0 = arith.constant 0 : i32
    %c0_i32_1 = arith.constant 0 : i32
    return %c0_i32, %c0_i32_0 : i32, i32
  }
  func.func @transform_19(%arg0: i32) -> (i32, i32) {
    %c0_i32 = arith.constant 0 : i32
    %c0_i32_0 = arith.constant 0 : i32
    %c0_i32_1 = arith.constant 0 : i32
    return %c0_i32, %c0_i32_0 : i32, i32
  }
  func.func @transform_20(%arg0: i32) -> (i32, i32) {
    %c0_i32 = arith.constant 0 : i32
    %c0_i32_0 = arith.constant 0 : i32
    %c0_i32_1 = arith.constant 0 : i32
    return %c0_i32, %c0_i32_0 : i32, i32
  }
  func.func @transform_21(%arg0: i32) -> (i32, i32) {
    %c0_i32 = arith.constant 0 : i32
    %c0_i32_0 = arith.constant 0 : i32
    %c0_i32_1 = arith.constant 0 : i32
    return %c0_i32, %c0_i32_0 : i32, i32
  }
  func.func @transform_22(%arg0: i32) -> (i32, i32) {
    %c0_i32 = arith.constant 0 : i32
    %c0_i32_0 = arith.constant 0 : i32
    %c0_i32_1 = arith.constant 0 : i32
    return %c0_i32, %c0_i32_0 : i32, i32
  }
  func.func @transform_23(%arg0: i32) -> (i32, i32) {
    %c0_i32 = arith.constant 0 : i32
    %c0_i32_0 = arith.constant 0 : i32
    %c0_i32_1 = arith.constant 0 : i32
    return %c0_i32, %c0_i32_0 : i32, i32
  }
  func.func @transform_24(%arg0: i32) -> (i32, i32) {
    %c0_i32 = arith.constant 0 : i32
    %c0_i32_0 = arith.constant 0 : i32
    %c0_i32_1 = arith.constant 0 : i32
    return %c0_i32, %c0_i32_0 : i32, i32
  }
  func.func @transform_25(%arg0: i32) -> (i32, i32) {
    %c0_i32 = arith.constant 0 : i32
    %c0_i32_0 = arith.constant 0 : i32
    %c0_i32_1 = arith.constant 0 : i32
    return %c0_i32, %c0_i32_0 : i32, i32
  }
  func.func @transform_26(%arg0: i32) -> (i32, i32) {
    %c0_i32 = arith.constant 0 : i32
    %c0_i32_0 = arith.constant 0 : i32
    return %arg0, %c0_i32 : i32, i32
  }
  func.func @transform_27(%arg0: i32) -> (i32, i32) {
    %c0_i32 = arith.constant 0 : i32
    %c0_i32_0 = arith.constant 0 : i32
    return %arg0, %c0_i32 : i32, i32
  }
}

</mosaic_0001>

<sc_bundles>
// kernel: sc_segment_count.3.cloned.1.call-start
scs
__scs_entry_jumppad:
0x0: {  	(pc) =	sbr.rel $0x88, $3  }
0x1: {  	(tag) =	ssettag $0x0;
	lr =	simm.s32 $0x1  }
0x2: {  	[smem:$0x3F89] =	sst lr;
	_ =	strace $0xD0000000  }
0x3: {  	_ = 	snop  }
0x4: {  	_ = 	snop  }
0x5: {  	_ = 	snop  }
0x6: {  	_ = 	snop  }
0x7: {  	_ = 	snop  }
__scs_overlays_trampoline_lowered:
0x8: {  	[smem:$0x3F98] =	sst s0  }
0x9: {  	[smem:$0x3F99] =	sst s1  }
0xa: {  	[smem:$0x3F9A] =	sst s2  }
0xb: {  	[smem:$0x3F9B] =	sst s3  }
0xc: {  	[smem:$0x3F9C] =	sst s4  }
0xd: {  	[smem:$0x3F9D] =	sst s5  }
0xe: {  	[smem:$0x3F9E] =	sst s6  }
0xf: {  	[smem:$0x3F9F] =	sst s7  }
0x10: {  	[smem:$0x3FA0] =	sst s8  }
0x11: {  	[smem:$0x3FA1] =	sst s9;
	s0 =	simm.s32 @!p0 $0x0  }
0x12: {  	s1 =	sld [smem:$0x3F87];
	s0 =	simm.s32 @p0 $0x1  }
0x13: {  	[smem:$0x3FA2] =	sst s0;
	s0 =	simm.s32 @!p1 $0x0  }
0x14: {  	s2 =	sld [smem:$0x3F86];
	s0 =	simm.s32 @p1 $0x1  }
0x15: {  	[smem:$0x3FA3] =	sst s0;
	s0 =	simm.s32 @!p2 $0x0  }
0x16: {  	s3 =	sld [smem:$0x3FDB];
	s0 =	simm.s32 @p2 $0x1  }
0x17: {  	s4 =	simm.s32 $0x1BF5;
	[smem:$0x3FA5] =	sst s0  }
0x18: {  	s0 =	sld [smem:$0x3F88];
	_ =	swait.ge [sflag:s4], $0x0  }
0x19: {  	s7 =	sld [smem:$0x3F89]  }
0x1a: {  	s8 =	sadd.s32 $0xFFFFE003, lr  }
0x1b: {  	s9 =	sadd.s32 $0xFFFFFEF7, lr;
	s5 =	simm.s32 $0xFFFFFFFF;
	p2 =	slt.u32 s8, $0xFFFFF086  }
0x1c: {  	p1 =	slt.u32 s9, $0xF7A;
	s5 =	simm.s32 @!p2 $0x0  }
0x1d: {  	s5 =	simm.s32 @p1 $0x1;
	p0 =	seq.s32 s7, s2  }
0x1e: {  	s7 =	smul.u32 @!p0 $0xF7A, s2;
	p2 =	seq.s32 @!p0 s5, $0x0  }
0x1f: {  	s9 =	smul.u32 $0xF7A, s1;
	s8 =	simm.s32 @!p0 $0x1BF5;
	p2 =	por !p2, p0  }
0x20: {  	[sflag:s8] =	ssyncset.s32 @!p0 $0xFFFFF086;
	s6 =	sadd.s32 @!p0 s3, s7;
	s7 =	simm.s32 @!p0 $0x108  }
0x21: {  	s3 =	sadd.s32 s3, s9;
	s6 =	sadd.s32 @!p0 $0x88, s6;
	s7 =	simm.s32 @p2 $0x1082  }
0x22: {  	[simem:s7], [sflag:s8] =	dma.local @!p0 [hbm:s6], $0xF7A  }
0x23: {  	s9 =	sor.u32 $0xD0000000, s2;
	s6 =	simm.s32 $0x108;
	_ =	swait.ge @!p0 [sflag:s8], $0x0  }
0x24: {  	s3 =	sadd.s32 $0x88, s3;
	s6 =	simm.s32 @!p1 $0x1082;
	[sflag:s4] =	ssyncset.s32 $0xFFFFF086  }
0x25: {  	[simem:s6], [sflag:s4] =	dma.local [hbm:s3], $0xF7A  }
0x26: {  	[smem:$0x3F89] =	sst s1;
	(tag) =	ssettag s2;
	_ =	strace s9  }
0x27: {  	s1 =	sld [smem:$0x3F99]  }
0x28: {  	s2 =	sld [smem:$0x3F9A]  }
0x29: {  	s4 =	sld [smem:$0x3F9C]  }
0x2a: {  	p0 =	seq.s32 s5, $0x0;
	s5 =	sld [smem:$0x3F9D]  }
0x2b: {  	s6 =	sld [smem:$0x3F9E]  }
0x2c: {  	s7 =	sld [smem:$0x3F9F]  }
0x2d: {  	s3 =	simm.s32 $0x108;
	s8 =	sld [smem:$0x3FA0]  }
0x2e: {  	s3 =	simm.s32 @!p0 $0x1082;
	s9 =	sld [smem:$0x3FA1]  }
0x2f: {  	lr =	sadd.s32 s0, s3;
	s0 =	sld [smem:$0x3F98]  }
0x30: {  	s3 =	sld [smem:$0x3F9B]  }
0x31: {  	[smem:$0x3FA4] =	sst s10  }
0x32: {  	s10 =	sld [smem:$0x3FA2];
	_ =	sdelay $0x3  }
0x33: {  	p0 =	seq.s32 s10, $0x1;
	s10 =	sld [smem:$0x3FA4];
	_ =	sdelay $0x3  }
0x34: {  	[smem:$0x3FA4] =	sst s10  }
0x35: {  	s10 =	sld [smem:$0x3FA3];
	_ =	sdelay $0x3  }
0x36: {  	p1 =	seq.s32 s10, $0x1;
	s10 =	sld [smem:$0x3FA4];
	_ =	sdelay $0x3  }
0x37: {  	[smem:$0x3FA4] =	sst s10  }
0x38: {  	s10 =	sld [smem:$0x3FA5]  }
0x39: {  	_ = 	snop;
	(pc) =	sbr.ind lr, $3  }
0x3a: {  	_ = 	snop  }
0x3b: {  	_ = 	snop  }
0x3c: {  	p2 =	seq.s32 s10, $0x1;
	s10 =	sld [smem:$0x3FA4]  }
0x3d: {  	_ =	shalt  }
0x3e: {  	_ =	shalt  }
0x3f: {  	_ =	shalt  }
0x40: {  	_ =	shalt  }
0x41: {  	_ =	shalt  }
0x42: {  	_ =	shalt  }
0x43: {  	_ =	shalt  }
0x44: {  	_ =	shalt  }
0x45: {  	_ =	shalt  }
0x46: {  	_ =	shalt  }
0x47: {  	_ =	shalt  }
0x48: {  	_ =	shalt  }
0x49: {  	_ =	shalt  }
0x4a: {  	_ =	shalt  }
0x4b: {  	_ =	shalt  }
0x4c: {  	_ =	shalt  }
0x4d: {  	_ =	shalt  }
0x4e: {  	_ =	shalt  }
0x4f: {  	_ =	shalt  }
0x50: {  	_ =	shalt  }
0x51: {  	_ =	shalt  }
0x52: {  	_ =	shalt  }
0x53: {  	_ =	shalt  }
0x54: {  	_ =	shalt  }
0x55: {  	_ =	shalt  }
0x56: {  	_ =	shalt  }
0x57: {  	_ =	shalt  }
0x58: {  	_ =	shalt  }
0x59: {  	_ =	shalt  }
0x5a: {  	_ =	shalt  }
0x5b: {  	_ =	shalt  }
0x5c: {  	_ =	shalt  }
0x5d: {  	_ =	shalt  }
0x5e: {  	_ =	shalt  }
0x5f: {  	_ =	shalt  }
0x60: {  	_ =	shalt  }
0x61: {  	_ =	shalt  }
0x62: {  	_ =	shalt  }
0x63: {  	_ =	shalt  }
0x64: {  	_ =	shalt  }
0x65: {  	_ =	shalt  }
0x66: {  	_ =	shalt  }
0x67: {  	_ =	shalt  }
0x68: {  	_ =	shalt  }
0x69: {  	_ =	shalt  }
0x6a: {  	_ =	shalt  }
0x6b: {  	_ =	shalt  }
0x6c: {  	_ =	shalt  }
0x6d: {  	_ =	shalt  }
0x6e: {  	_ =	shalt  }
0x6f: {  	_ =	shalt  }
0x70: {  	_ =	shalt  }
0x71: {  	_ =	shalt  }
0x72: {  	_ =	shalt  }
0x73: {  	_ =	shalt  }
0x74: {  	_ =	shalt  }
0x75: {  	_ =	shalt  }
0x76: {  	_ =	shalt  }
0x77: {  	_ =	shalt  }
0x78: {  	_ =	shalt  }
0x79: {  	_ =	shalt  }
0x7a: {  	_ =	shalt  }
0x7b: {  	_ =	shalt  }
0x7c: {  	_ =	shalt  }
0x7d: {  	_ =	shalt  }
0x7e: {  	_ =	shalt  }
0x7f: {  	_ =	shalt  }
0x80: {  	_ =	shalt  }
0x81: {  	_ =	shalt  }
0x82: {  	_ =	shalt  }
0x83: {  	_ =	shalt  }
0x84: {  	_ =	shalt  }
0x85: {  	_ =	shalt  }
0x86: {  	_ =	shalt  }
0x87: {  	_ =	shalt  }
.Lfunc_end0:
.L_simem_size_0:
called_computation_lowered:
.L_overlay_start_0:
0x88: {  	s2 =	sld [smem:$0x3FD9]  }
0x89: {  	s3 =	sld [smem:$0x3FFE];
	_ =	sdelay $0x1  }
0x8a: {  	s1 =	srdreg.scid  }
0x8b: {  	s0 =	sand.u32 $0x1, s1  }
0x8c: {  	s17 =	sshll.u32 s0, $0xA;
	s2 =	sadd.s32 s3, s2  }
0x8d: {  	s2 =	sadd.s32 s2, s17  }
0x8e: {  	[smem:$0x3FB0] =	sst s2  }
0x8f: {  	_ = 	snop  }
0x90: {  	s18 =	sld [smem:$0x3FD0];
	(tm) =	ssettm $0x1  }
0x91: {  	s19 =	sld [smem:$0x3FFB];
	_ =	sdelay $0x3  }
0x92: {  	_ =	strace s19  }
0x93: {  	s2 =	sld [smem:$0x3FFC];
	_ =	sdelay $0x3  }
0x94: {  	_ =	strace s2  }
0x95: {  	s2 =	sld [smem:$0x3FFD];
	_ =	sdelay $0x3  }
0x96: {  	_ =	strace s2  }
0x97: {  	_ =	strace $0x8FFFFFFF  }
0x98: {  	s20 =	sld [smem:$0x3FDB];
	_ =	sdelay $0x1  }
0x99: {  	s4 =	simm.s32 $_scs_section_size  }
0x9a: {  	s5 =	simm.s32 $_size__tile_overlayer_lowered;
	s6 =	simm.s32 $_tile_overlayer_lowered  }
0x9b: {  	s7 =	simm.s32 $0x1BFF;
	s21 =	sshll.u32 s6, $0x1;
	s4 =	sadd.s32 s4, s20  }
0x9c: {  	s22 =	simm.s32 $0x0;
	s5 =	sshll.u32 s5, $0x1;
	s6 =	sadd.s32 s21, s4  }
0x9d: {  	[timem:s22], [sflag:s7] =	dma.local [hbm:s6], s5  }
0x9e: {  	_ =	swait.ge [sflag:s7], s5  }
0x9f: {  	s5 =	ssub.s32 $0x0, s5;
	[sflag:s7] =	ssyncset.done $0x0  }
0xa0: {  	[sflag:s7] =	ssyncadd.s32 s5;
	_ =	sdelay $0x1  }
0xa1: {  	s23 =	simm.s32 $0x1B8B  }
0xa2: {  	_ =	swait.ge [sflag:s23], $0x1  }
0xa3: {  	[sflag:s23] =	ssyncset.done $0x0  }
0xa4: {  	[sflag:s23] =	ssyncadd.s32 $0xFFFFFFFF  }
0xa5: {  	s5 =	sld [smem:$0x0]  }
0xa6: {  	s6 =	sand.u32 $0xFFFFFFFE, s1  }
0xa7: {  	p0 =	sne.s32 s1, s6  }
0xa8: {  	s6 =	sshll.u32 @p0 s6, $0xE  }
0xa9: {  	s6 =	sadd.s32 @p0 $0x11B8D, s6;
	s7 =	sshll.u32 @p0 s5, $0x11  }
0xaa: {  	s6 =	sor.u32 @p0 s7, s6  }
0xab: {  	[sflag:s6] =	ssyncadd.remote.s32 @p0 $0x1;
	_ =	sdelay $0x1  }
0xac: {  	s6 =	simm.s32 @p0 $0x1B8D  }
0xad: {  	_ =	swait.eq @p0 [sflag:s6], $0x1  }
0xae: {  	[sflag:s6] =	ssyncadd.s32 @p0 $0xFFFFFFFF  }
0xaf: {  	s7 =	sshll.u32 @!p0 s1, $0xE  }
0xb0: {  	s7 =	sor.u32 @!p0 $0x4000, s7;
	s6 =	simm.s32 @!p0 $0x1B8D  }
0xb1: {  	s5 =	sshll.u32 @!p0 s5, $0x11;
	s7 =	sadd.s32 @!p0 $0x11B8D, s7;
	_ =	swait.eq @!p0 [sflag:s6], $0x1  }
0xb2: {  	s5 =	sor.u32 @!p0 s5, s7;
	[sflag:s6] =	ssyncadd.s32 @!p0 $0xFFFFFFFF  }
0xb3: {  	s25 =	simm.s32 $0x1B8E;
	s24 =	sld [smem:$0x3FFE];
	[sflag:s5] =	ssyncadd.remote.s32 @!p0 $0x1  }
0xb4: {  	s26 =	simm.s32 $execute0_lowered;
	[smem:$0x3FD2] =	sst s25  }
0xb5: {  	s6 =	sshll.u32 s26, $0x1;
	_ =	strace $0x80000049;
	[dreg:$0x1] =	wrdreg $0xFFFFFFFF  }
0xb6: {  	s28 =	simm.s32 $_size_execute0_lowered;
	s4 =	sadd.s32 s4, s6;
	[dreg:$0x0] =	wrdreg $0x0  }
0xb7: {  	s6 =	sshll.u32 s28, $0x1;
	[dreg:$0x2] =	wrdreg s4  }
0xb8: {  	[dreg:$0x3] =	wrdreg s6  }
0xb9: {  	[dreg:$0x4] =	wrdreg $0xC0  }
0xba: {  	_ =	task [dreg:s22], $0x5FFFF  }
0xbb: {  	[dreg:$0x1] =	wrdreg $0xFFFFFFFF  }
0xbc: {  	[dreg:$0x0] =	wrdreg $0x60  }
0xbd: {  	[dreg:$0x2] =	wrdreg s24  }
0xbe: {  	[dreg:$0x3] =	wrdreg s18  }
0xbf: {  	[dreg:$0x4] =	wrdreg $0x50000  }
0xc0: {  	[dreg:$0x5] =	wrdreg $0x9  }
0xc1: {  	_ =	task.clear_ibuf [dreg:s22], $0x6FFFF;
	_ =	strace $0x90000049  }
0xc2: {  	s29 =	simm.s32 $0x9;
	_ =	strace $0x8000004B  }
0xc3: {  	_ =	swait.ge [sflag:s29], $0x1  }
0xc4: {  	[sflag:s29] =	ssyncadd.s32 $0xFFFFFFFF  }
0xc5: {  	_ =	strace $0x9000004B  }
0xc6: {  	_ =	sfence  }
0xc7: {  	s30 =	sld [smem:$0x0];
	_ =	sdelay $0x2  }
0xc8: {  	s31 =	sshll.u32 s1, $0xD;
	s1 =	sshrl.u32 s1, $0x2  }
0xc9: {  	s4 =	sand.u32 $0x4000, s31;
	s1 =	sadd.s32 s1, s30  }
0xca: {  	s0 =	sor.u32 s4, s0;
	s1 =	sshll.u32 s1, $0x11  }
0xcb: {  	s0 =	sor.u32 s1, s0  }
0xcc: {  	s0 =	sadd.s32 $0x8F2B, s0  }
0xcd: {  	[sflag:s0] =	ssyncadd.remote.s32 $0x1  }
0xce: {  	_ =	sfence.sel $0xFFFF  }
0xcf: {  	[dreg:$0x0] =	wrdreg $0xFFFFFFFF;
	(pc) =	sbr.abs _section_cstart, $3  }
0xd0: {  	[dreg:$0x1] =	wrdreg $0xFFFFFFFF  }
0xd1: {  	_ =	task.clear_ibuf [dreg:s22], $0x2FFFF;
	_ =	strace $0x9FFFFFFF  }
0xd2: {  	(tm) =	ssettm $0x7FFFFFFF  }
0xd3: {  	_ =	shalt  }
tec
execute0_lowered:
.L_overlay_start_1:
0x0: {  	(tag) =	ssettag $0x1  }
0x1: {  	s7 =	rddreg [dreg:$0x0]  }
0x2: {  	s9 =	rddreg [dreg:$0x1]  }
0x3: {  	s1 =	rddreg [dreg:$0x2]  }
0x4: {  	s0 =	rddreg [dreg:$0x3];
	s2 =	simm.s32 $0x0;
	s5 =	srdreg.scid  }
0x5: {  	s3 =	stileid.u32;
	s23 =	simm.s32 $0x1000;
	s24 =	simm.s32 $0x80  }
0x6: {  	s25 =	simm.s32 $0x0;
	[smem:$0x7FF] =	sst s2;
	s15 =	sadd.s32 $0x1A800, s7  }
0x7: {  	s20 =	sadd.s32 $0x6800, s7;
	s4 =	sadd.s32 $0x7E800, s7;
	s10 =	smul.u32 $0x50000, s3  }
0x8: {  	s8 =	sand.u32 $0x1, s5;
	s5 =	sadd.s32 $0x7F000, s7;
	s6 =	smul.u32 $0x2800, s3  }
0x9: {  	s7 =	sadd.s32 $0xA7000, s7;
	s13 =	smul.u32 $0x5000, s3;
	s22 =	sshll.u32 s3, $0x6  }
0xa: {  	_ =	strace $0x8000004A;
	s11 =	ssub.s32 $0x2, s8;
	p0 =	seq.s32 s8, $0x1  }
0xb: {  	s12 =	sshrl.u32 s11, $0x1;
	s31 =	sshrl.u32 s10, $0x2;
	s9 =	sadd.s32 s9, s6  }
0xc: {  	s16 =	sshrl.u32 s13, $0x3;
	s11 =	ssub.s32 s11, s12;
	s8 =	sadd.s32 s31, s1  }
0xd: {  	s17 =	sadd.s32 $0x200, s16;
	s18 =	sadd.s32 $0x400, s16;
	s19 =	sadd.s32 $0x600, s16  }
.Ltmp0:
0xe: {  	s21 =	sadd.s32 $0x800, s16;
	s10 =	smax.u32 s11, $0x1;
	(pc) =	sbr.rel .LBB2_1-.Ltmp0, $4  }
0xf: {  	s11 =	sadd.s32 s15, s16;
	s12 =	sadd.s32 s15, s17;
	s13 =	sadd.s32 s15, s18  }
0x10: {  	s14 =	sadd.s32 s15, s19;
	s15 =	sadd.s32 s15, s21;
	s16 =	sadd.s32 s20, s16  }
0x11: {  	s17 =	sadd.s32 s20, s17;
	s18 =	sadd.s32 s20, s18;
	s19 =	sadd.s32 s20, s19  }
0x12: {  	s20 =	sadd.s32 s20, s21;
	s21 =	sor.u32 $0x1C01, s22;
	s22 =	simm.s32 $0x1  }
.LBB2_23:
0x13: {  	[sflag:s22] =	ssyncadd.s32 $0xFFFFC000;
	s28 =	smov.u32 s7  }
.LBB2_24:
0x14: {  	s25 =	sadd.s32 $0x1, s25  }
0x15: {  	p1 =	sne.s32 s25, s10  }
.Ltmp1:
0x16: {  	s28 =	sadd.s32 s28, s6;
	[bflag:$0x0] =	sbarrier.arrive $0xFFFF;
	(pc) =	sbr.rel @!p1 .LBB2_25-.Ltmp1, $4  }
0x17: {  	[hbm:s28], [sflag:s21] =	dma.local [spmem:s26], $0x2800  }
0x18: {  	_ =	swait.ge [sflag:s22], $0x2800  }
0x19: {  	[sflag:s22] =	ssyncset.done $0x0  }
0x1a: {  	[sflag:s22] =	ssyncadd.s32 $0xFFFFD800  }
.LBB2_1:
0x1b: {  	s26 =	sshrl.u32 s8, $0x3  }
0x1c: {  	[spmem:s26], [sflag:s21] =	dma.local [hbm:s9], $0x2800  }
0x1d: {  	_ =	swait.ge [sflag:s22], $0x2800  }
0x1e: {  	[sflag:s22] =	ssyncset.done $0x0  }
0x1f: {  	[sflag:s22] =	ssyncadd.s32 $0xFFFFD800  }
0x20: {  	[tilespmem:s23], [sflag:$0x1] =	stream.linear.gather [hbm4b:s4+s2], $0x4000, $0x38;
	[tilespmem:$0x19000] =	vst v63  }
.Ltmp2:
0x21: {  	_ =	swait.ge [sflag:s22], $0x4000;
	(pc) =	sbr.rel @!p0 .LBB2_2-.Ltmp2, $4  }
0x22: {  	[sflag:s22] =	ssyncset.done $0x0  }
0x23: {  	[sflag:s22] =	ssyncadd.s32 $0xFFFFC000  }
0x24: {  	[bflag:$0x0] =	sbarrier.arrive $0xFFFF  }
0x25: {  	s28 =	simm.s32 $0x0  }
0x26: {  	[tilespmem:s28], [sflag:$0x1] =	stream.linear.gather [hbm4b:s16+s28], $0x1000, $0x38;
	[tilespmem:$0x19000] =	vst v63  }
0x27: {  	_ =	swait.ge [sflag:s22], $0x1000  }
0x28: {  	[sflag:s22] =	ssyncset.done $0x0  }
0x29: {  	s28 =	simm.s32 $0x0;
	[sflag:s22] =	ssyncadd.s32 $0xFFFFF000  }
0x2a: {  	[spmem:s1] =	stream.indirect.scatter.add.f32 [tilespmem:s23], [sflag:$0x1], $0x80, s28, s24, $0xb8;
	[tilespmem:$0x19000] =	vst v63  }
0x2b: {  	_ =	swait.ge [sflag:s22], $0x4000  }
0x2c: {  	s28 =	simm.s32 $0x200;
	[sflag:s22] =	ssyncset.done $0x0  }
.LBB2_14:
0x2d: {  	s29 =	sshra.s32 s28, $0x2;
	[sflag:s22] =	ssyncadd.s32 $0xFFFFC000;
	p1 =	sne.s32 s28, $0x3E00  }
0x2e: {  	[spmem:s1] =	stream.indirect.scatter.add.f32 [tilespmem:s23], [sflag:$0x1], $0x80, s29, s24, $0xb8;
	[tilespmem:$0x19000] =	vst v63  }
.Ltmp3:
0x2f: {  	_ = 	snop;
	(pc) =	sbr.rel @p1 .LBB2_14-.Ltmp3, $4  }
0x30: {  	_ = 	snop  }
0x31: {  	s28 =	sadd.s32 $0x200, s28  }
0x32: {  	_ =	swait.ge [sflag:s22], $0x4000  }
0x33: {  	[sflag:s22] =	ssyncset.done $0x0  }
0x34: {  	[sflag:s22] =	ssyncadd.s32 $0xFFFFC000;
	s28 =	simm.s32 $0x0  }
0x35: {  	[tilespmem:s28], [sflag:$0x1] =	stream.linear.gather [hbm4b:s17+s28], $0x1000, $0x38;
	[tilespmem:$0x19000] =	vst v63  }
0x36: {  	_ =	swait.ge [sflag:s22], $0x1000  }
0x37: {  	[sflag:s22] =	ssyncset.done $0x0  }
0x38: {  	s28 =	simm.s32 $0x0;
	[sflag:s22] =	ssyncadd.s32 $0xFFFFF000  }
0x39: {  	[spmem:s1] =	stream.indirect.scatter.add.f32 [tilespmem:s23], [sflag:$0x1], $0x80, s28, s24, $0xb8;
	[tilespmem:$0x19000] =	vst v63  }
0x3a: {  	_ =	swait.ge [sflag:s22], $0x4000  }
0x3b: {  	s28 =	simm.s32 $0x200;
	[sflag:s22] =	ssyncset.done $0x0  }
.LBB2_16:
0x3c: {  	s29 =	sshra.s32 s28, $0x2;
	[sflag:s22] =	ssyncadd.s32 $0xFFFFC000;
	p1 =	sne.s32 s28, $0x3E00  }
0x3d: {  	[spmem:s1] =	stream.indirect.scatter.add.f32 [tilespmem:s23], [sflag:$0x1], $0x80, s29, s24, $0xb8;
	[tilespmem:$0x19000] =	vst v63  }
.Ltmp4:
0x3e: {  	_ = 	snop;
	(pc) =	sbr.rel @p1 .LBB2_16-.Ltmp4, $4  }
0x3f: {  	_ = 	snop  }
0x40: {  	s28 =	sadd.s32 $0x200, s28  }
0x41: {  	_ =	swait.ge [sflag:s22], $0x4000  }
0x42: {  	[sflag:s22] =	ssyncset.done $0x0  }
0x43: {  	[sflag:s22] =	ssyncadd.s32 $0xFFFFC000;
	s28 =	simm.s32 $0x0  }
0x44: {  	[tilespmem:s28], [sflag:$0x1] =	stream.linear.gather [hbm4b:s18+s28], $0x1000, $0x38;
	[tilespmem:$0x19000] =	vst v63  }
0x45: {  	_ =	swait.ge [sflag:s22], $0x1000  }
0x46: {  	[sflag:s22] =	ssyncset.done $0x0  }
0x47: {  	s28 =	simm.s32 $0x0;
	[sflag:s22] =	ssyncadd.s32 $0xFFFFF000  }
0x48: {  	[spmem:s1] =	stream.indirect.scatter.add.f32 [tilespmem:s23], [sflag:$0x1], $0x80, s28, s24, $0xb8;
	[tilespmem:$0x19000] =	vst v63  }
0x49: {  	_ =	swait.ge [sflag:s22], $0x4000  }
0x4a: {  	s28 =	simm.s32 $0x200;
	[sflag:s22] =	ssyncset.done $0x0  }
.LBB2_18:
0x4b: {  	s29 =	sshra.s32 s28, $0x2;
	[sflag:s22] =	ssyncadd.s32 $0xFFFFC000;
	p1 =	sne.s32 s28, $0x3E00  }
0x4c: {  	[spmem:s1] =	stream.indirect.scatter.add.f32 [tilespmem:s23], [sflag:$0x1], $0x80, s29, s24, $0xb8;
	[tilespmem:$0x19000] =	vst v63  }
.Ltmp5:
0x4d: {  	_ = 	snop;
	(pc) =	sbr.rel @p1 .LBB2_18-.Ltmp5, $4  }
0x4e: {  	_ = 	snop  }
0x4f: {  	s28 =	sadd.s32 $0x200, s28  }
0x50: {  	_ =	swait.ge [sflag:s22], $0x4000  }
0x51: {  	[sflag:s22] =	ssyncset.done $0x0  }
0x52: {  	[sflag:s22] =	ssyncadd.s32 $0xFFFFC000;
	s28 =	simm.s32 $0x0  }
0x53: {  	[tilespmem:s28], [sflag:$0x1] =	stream.linear.gather [hbm4b:s19+s28], $0x1000, $0x38;
	[tilespmem:$0x19000] =	vst v63  }
0x54: {  	_ =	swait.ge [sflag:s22], $0x1000  }
0x55: {  	[sflag:s22] =	ssyncset.done $0x0  }
0x56: {  	s28 =	simm.s32 $0x0;
	[sflag:s22] =	ssyncadd.s32 $0xFFFFF000  }
0x57: {  	[spmem:s1] =	stream.indirect.scatter.add.f32 [tilespmem:s23], [sflag:$0x1], $0x80, s28, s24, $0xb8;
	[tilespmem:$0x19000] =	vst v63  }
0x58: {  	_ =	swait.ge [sflag:s22], $0x4000  }
0x59: {  	s28 =	simm.s32 $0x200;
	[sflag:s22] =	ssyncset.done $0x0  }
.LBB2_20:
0x5a: {  	s29 =	sshra.s32 s28, $0x2;
	[sflag:s22] =	ssyncadd.s32 $0xFFFFC000;
	p1 =	sne.s32 s28, $0x3E00  }
0x5b: {  	[spmem:s1] =	stream.indirect.scatter.add.f32 [tilespmem:s23], [sflag:$0x1], $0x80, s29, s24, $0xb8;
	[tilespmem:$0x19000] =	vst v63  }
.Ltmp6:
0x5c: {  	_ = 	snop;
	(pc) =	sbr.rel @p1 .LBB2_20-.Ltmp6, $4  }
0x5d: {  	_ = 	snop  }
0x5e: {  	s28 =	sadd.s32 $0x200, s28  }
0x5f: {  	_ =	swait.ge [sflag:s22], $0x4000  }
0x60: {  	[sflag:s22] =	ssyncset.done $0x0  }
0x61: {  	[sflag:s22] =	ssyncadd.s32 $0xFFFFC000;
	s28 =	simm.s32 $0x0  }
0x62: {  	[tilespmem:s28], [sflag:$0x1] =	stream.linear.gather [hbm4b:s20+s28], $0x1000, $0x38;
	[tilespmem:$0x19000] =	vst v63  }
0x63: {  	_ =	swait.ge [sflag:s22], $0x1000  }
0x64: {  	[sflag:s22] =	ssyncset.done $0x0  }
0x65: {  	s28 =	simm.s32 $0x0;
	[sflag:s22] =	ssyncadd.s32 $0xFFFFF000  }
0x66: {  	[spmem:s1] =	stream.indirect.scatter.add.f32 [tilespmem:s23], [sflag:$0x1], $0x80, s28, s24, $0xb8;
	[tilespmem:$0x19000] =	vst v63  }
0x67: {  	_ =	swait.ge [sflag:s22], $0x4000  }
0x68: {  	s28 =	simm.s32 $0x200;
	[sflag:s22] =	ssyncset.done $0x0  }
.LBB2_22:
0x69: {  	s29 =	sshra.s32 s28, $0x2;
	[sflag:s22] =	ssyncadd.s32 $0xFFFFC000;
	p1 =	sne.s32 s28, $0x3E00  }
0x6a: {  	[spmem:s1] =	stream.indirect.scatter.add.f32 [tilespmem:s23], [sflag:$0x1], $0x80, s29, s24, $0xb8;
	[tilespmem:$0x19000] =	vst v63  }
.Ltmp7:
0x6b: {  	_ = 	snop;
	(pc) =	sbr.rel @p1 .LBB2_22-.Ltmp7, $4  }
0x6c: {  	_ = 	snop  }
0x6d: {  	s28 =	sadd.s32 $0x200, s28  }
0x6e: {  	_ =	swait.ge [sflag:s22], $0x4000  }
0x6f: {  	[sflag:s22] =	ssyncset.done $0x0  }
.Ltmp8:
0x70: {  	_ = 	snop;
	(pc) =	sbr.rel .LBB2_23-.Ltmp8, $1  }
0x71: {  	_ =	sdelay $0x3  }
.LBB2_2:
0x72: {  	[tilespmem:s28], [sflag:$0x1] =	stream.linear.gather [hbm4b:s11+s28], $0x1000, $0x38;
	[tilespmem:$0x19000] =	vst v63  }
0x73: {  	_ =	swait.ge [sflag:s22], $0x1000  }
0x74: {  	[sflag:s22] =	ssyncset.done $0x0  }
0x75: {  	s28 =	simm.s32 $0x0;
	[sflag:s22] =	ssyncadd.s32 $0xFFFFF000  }
0x76: {  	[spmem:s1] =	stream.indirect.scatter.add.f32 [tilespmem:s23], [sflag:$0x1], $0x80, s28, s24, $0xb8;
	[tilespmem:$0x19000] =	vst v63  }
0x77: {  	_ =	swait.ge [sflag:s22], $0x4000  }
0x78: {  	s28 =	simm.s32 $0x200;
	[sflag:s22] =	ssyncset.done $0x0  }
.LBB2_3:
0x79: {  	s29 =	sshra.s32 s28, $0x2;
	[sflag:s22] =	ssyncadd.s32 $0xFFFFC000;
	p1 =	sne.s32 s28, $0x3E00  }
0x7a: {  	[spmem:s1] =	stream.indirect.scatter.add.f32 [tilespmem:s23], [sflag:$0x1], $0x80, s29, s24, $0xb8;
	[tilespmem:$0x19000] =	vst v63  }
.Ltmp9:
0x7b: {  	_ = 	snop;
	(pc) =	sbr.rel @p1 .LBB2_3-.Ltmp9, $4  }
0x7c: {  	_ = 	snop  }
0x7d: {  	s28 =	sadd.s32 $0x200, s28  }
0x7e: {  	_ =	swait.ge [sflag:s22], $0x4000  }
0x7f: {  	[sflag:s22] =	ssyncset.done $0x0  }
0x80: {  	[sflag:s22] =	ssyncadd.s32 $0xFFFFC000;
	s28 =	simm.s32 $0x0  }
0x81: {  	[tilespmem:s28], [sflag:$0x1] =	stream.linear.gather [hbm4b:s12+s28], $0x1000, $0x38;
	[tilespmem:$0x19000] =	vst v63  }
0x82: {  	_ =	swait.ge [sflag:s22], $0x1000  }
0x83: {  	[sflag:s22] =	ssyncset.done $0x0  }
0x84: {  	s28 =	simm.s32 $0x0;
	[sflag:s22] =	ssyncadd.s32 $0xFFFFF000  }
0x85: {  	[spmem:s1] =	stream.indirect.scatter.add.f32 [tilespmem:s23], [sflag:$0x1], $0x80, s28, s24, $0xb8;
	[tilespmem:$0x19000] =	vst v63  }
0x86: {  	_ =	swait.ge [sflag:s22], $0x4000  }
0x87: {  	s28 =	simm.s32 $0x200;
	[sflag:s22] =	ssyncset.done $0x0  }
.LBB2_5:
0x88: {  	s29 =	sshra.s32 s28, $0x2;
	[sflag:s22] =	ssyncadd.s32 $0xFFFFC000;
	p1 =	sne.s32 s28, $0x3E00  }
0x89: {  	[spmem:s1] =	stream.indirect.scatter.add.f32 [tilespmem:s23], [sflag:$0x1], $0x80, s29, s24, $0xb8;
	[tilespmem:$0x19000] =	vst v63  }
.Ltmp10:
0x8a: {  	_ = 	snop;
	(pc) =	sbr.rel @p1 .LBB2_5-.Ltmp10, $4  }
0x8b: {  	_ = 	snop  }
0x8c: {  	s28 =	sadd.s32 $0x200, s28  }
0x8d: {  	_ =	swait.ge [sflag:s22], $0x4000  }
0x8e: {  	[sflag:s22] =	ssyncset.done $0x0  }
0x8f: {  	[sflag:s22] =	ssyncadd.s32 $0xFFFFC000;
	s28 =	simm.s32 $0x0  }
0x90: {  	[tilespmem:s28], [sflag:$0x1] =	stream.linear.gather [hbm4b:s13+s28], $0x1000, $0x38;
	[tilespmem:$0x19000] =	vst v63  }
0x91: {  	_ =	swait.ge [sflag:s22], $0x1000  }
0x92: {  	[sflag:s22] =	ssyncset.done $0x0  }
0x93: {  	s28 =	simm.s32 $0x0;
	[sflag:s22] =	ssyncadd.s32 $0xFFFFF000  }
0x94: {  	[spmem:s1] =	stream.indirect.scatter.add.f32 [tilespmem:s23], [sflag:$0x1], $0x80, s28, s24, $0xb8;
	[tilespmem:$0x19000] =	vst v63  }
0x95: {  	_ =	swait.ge [sflag:s22], $0x4000  }
0x96: {  	s28 =	simm.s32 $0x200;
	[sflag:s22] =	ssyncset.done $0x0  }
.LBB2_7:
0x97: {  	s29 =	sshra.s32 s28, $0x2;
	[sflag:s22] =	ssyncadd.s32 $0xFFFFC000;
	p1 =	sne.s32 s28, $0x3E00  }
0x98: {  	[spmem:s1] =	stream.indirect.scatter.add.f32 [tilespmem:s23], [sflag:$0x1], $0x80, s29, s24, $0xb8;
	[tilespmem:$0x19000] =	vst v63  }
.Ltmp11:
0x99: {  	_ = 	snop;
	(pc) =	sbr.rel @p1 .LBB2_7-.Ltmp11, $4  }
0x9a: {  	_ = 	snop  }
0x9b: {  	s28 =	sadd.s32 $0x200, s28  }
0x9c: {  	_ =	swait.ge [sflag:s22], $0x4000  }
0x9d: {  	[sflag:s22] =	ssyncset.done $0x0  }
0x9e: {  	[sflag:s22] =	ssyncadd.s32 $0xFFFFC000;
	s28 =	simm.s32 $0x0  }
0x9f: {  	[tilespmem:s28], [sflag:$0x1] =	stream.linear.gather [hbm4b:s14+s28], $0x1000, $0x38;
	[tilespmem:$0x19000] =	vst v63  }
0xa0: {  	_ =	swait.ge [sflag:s22], $0x1000  }
0xa1: {  	[sflag:s22] =	ssyncset.done $0x0  }
0xa2: {  	s28 =	simm.s32 $0x0;
	[sflag:s22] =	ssyncadd.s32 $0xFFFFF000  }
0xa3: {  	[spmem:s1] =	stream.indirect.scatter.add.f32 [tilespmem:s23], [sflag:$0x1], $0x80, s28, s24, $0xb8;
	[tilespmem:$0x19000] =	vst v63  }
0xa4: {  	_ =	swait.ge [sflag:s22], $0x4000  }
0xa5: {  	s28 =	simm.s32 $0x200;
	[sflag:s22] =	ssyncset.done $0x0  }
.LBB2_9:
0xa6: {  	s29 =	sshra.s32 s28, $0x2;
	[sflag:s22] =	ssyncadd.s32 $0xFFFFC000;
	p1 =	sne.s32 s28, $0x3E00  }
0xa7: {  	[spmem:s1] =	stream.indirect.scatter.add.f32 [tilespmem:s23], [sflag:$0x1], $0x80, s29, s24, $0xb8;
	[tilespmem:$0x19000] =	vst v63  }
.Ltmp12:
0xa8: {  	_ = 	snop;
	(pc) =	sbr.rel @p1 .LBB2_9-.Ltmp12, $4  }
0xa9: {  	_ = 	snop  }
0xaa: {  	s28 =	sadd.s32 $0x200, s28  }
0xab: {  	_ =	swait.ge [sflag:s22], $0x4000  }
0xac: {  	[sflag:s22] =	ssyncset.done $0x0  }
0xad: {  	[sflag:s22] =	ssyncadd.s32 $0xFFFFC000;
	s28 =	simm.s32 $0x0  }
0xae: {  	[tilespmem:s28], [sflag:$0x1] =	stream.linear.gather [hbm4b:s15+s28], $0x1000, $0x38;
	[tilespmem:$0x19000] =	vst v63  }
0xaf: {  	_ =	swait.ge [sflag:s22], $0x1000  }
0xb0: {  	[sflag:s22] =	ssyncset.done $0x0  }
0xb1: {  	s28 =	simm.s32 $0x0;
	[sflag:s22] =	ssyncadd.s32 $0xFFFFF000  }
0xb2: {  	[spmem:s1] =	stream.indirect.scatter.add.f32 [tilespmem:s23], [sflag:$0x1], $0x80, s28, s24, $0xb8;
	[tilespmem:$0x19000] =	vst v63  }
0xb3: {  	_ =	swait.ge [sflag:s22], $0x4000  }
0xb4: {  	s28 =	simm.s32 $0x200;
	[sflag:s22] =	ssyncset.done $0x0  }
.LBB2_11:
0xb5: {  	s29 =	sshra.s32 s28, $0x2;
	[sflag:s22] =	ssyncadd.s32 $0xFFFFC000;
	p1 =	seq.s32 s28, $0x3E00  }
0xb6: {  	[spmem:s1] =	stream.indirect.scatter.add.f32 [tilespmem:s23], [sflag:$0x1], $0x80, s29, s24, $0xb8;
	[tilespmem:$0x19000] =	vst v63  }
.Ltmp13:
0xb7: {  	_ = 	snop;
	(pc) =	sbr.rel @!p1 .LBB2_11-.Ltmp13, $4  }
0xb8: {  	_ = 	snop  }
0xb9: {  	s28 =	sadd.s32 $0x200, s28  }
0xba: {  	_ =	swait.ge [sflag:s22], $0x4000  }
0xbb: {  	[sflag:s22] =	ssyncset.done $0x0  }
.Ltmp14:
0xbc: {  	(pc) =	sbr.rel .LBB2_24-.Ltmp14, $2  }
0xbd: {  	_ =	sdelay $0x2  }
0xbe: {  	[sflag:s22] =	ssyncadd.s32 $0xFFFFC000;
	s28 =	smov.u32 s5  }
.LBB2_25:
0xbf: {  	_ =	sfence.sel $0x180000  }
0xc0: {  	[bflag:$0x0] =	sbarrier.arrive $0xFFFF  }
0xc1: {  	p0 =	sne.s32 s3, $0x0;
	_ =	strace $0x9000004A  }
0xc2: {  	s0 =	sadd.s32 @!p0 $0x100000, s0;
	[bflag:$0x2] =	sbarrier.arrive $0xFFFF  }
0xc3: {  	[sflag:s0] =	ssyncadd.tile.s32 @!p0 $0x1;
	_ =	shalt  }
.Lfunc_end2:
_tile_overlayer_lowered:
.L_overlay_start_2:
0xc4: {  	(tag) =	ssettag $0x2  }
0xc5: {  	s0 =	rddreg [dreg:$0x0];
	s2 =	stileid.u32  }
0xc6: {  	s1 =	rddreg [dreg:$0x1];
	p0 =	sne.s32 s2, $0x0  }
0xc7: {  	s3 =	rddreg [dreg:$0x2];
	[bflag:$0x3] =	sbarrier.arrive $0xFFFF;
	s2 =	simm.s32 @!p0 $0x1C01  }
0xc8: {  	[timem:s3], [sflag:s2] =	dma.local @!p0 [hbm:s0], s1  }
0xc9: {  	s0 =	simm.s32 @!p0 $0x1  }
0xca: {  	_ =	swait.ge @!p0 [sflag:s0], s1  }
0xcb: {  	s1 =	ssub.s32 @!p0 $0x0, s1;
	[sflag:s0] =	ssyncset.done @!p0 $0x0  }
0xcc: {  	[sflag:s0] =	ssyncadd.s32 @!p0 s1  }
0xcd: {  	[bflag:$0x3] =	sbarrier.arrive $0xFFFF  }
0xce: {  	_ =	shalt  }

// kernel: sc_segment_sum.4.cloned.1.call-start
scs
__scs_entry_jumppad:
0x0: {  	(pc) =	sbr.rel $0x88, $3  }
0x1: {  	(tag) =	ssettag $0x0;
	lr =	simm.s32 $0x1  }
0x2: {  	[smem:$0x3F89] =	sst lr;
	_ =	strace $0xD0000000  }
0x3: {  	_ = 	snop  }
0x4: {  	_ = 	snop  }
0x5: {  	_ = 	snop  }
0x6: {  	_ = 	snop  }
0x7: {  	_ = 	snop  }
__scs_overlays_trampoline_lowered:
0x8: {  	[smem:$0x3F98] =	sst s0  }
0x9: {  	[smem:$0x3F99] =	sst s1  }
0xa: {  	[smem:$0x3F9A] =	sst s2  }
0xb: {  	[smem:$0x3F9B] =	sst s3  }
0xc: {  	[smem:$0x3F9C] =	sst s4  }
0xd: {  	[smem:$0x3F9D] =	sst s5  }
0xe: {  	[smem:$0x3F9E] =	sst s6  }
0xf: {  	[smem:$0x3F9F] =	sst s7  }
0x10: {  	[smem:$0x3FA0] =	sst s8  }
0x11: {  	[smem:$0x3FA1] =	sst s9;
	s0 =	simm.s32 @!p0 $0x0  }
0x12: {  	s1 =	sld [smem:$0x3F87];
	s0 =	simm.s32 @p0 $0x1  }
0x13: {  	[smem:$0x3FA2] =	sst s0;
	s0 =	simm.s32 @!p1 $0x0  }
0x14: {  	s2 =	sld [smem:$0x3F86];
	s0 =	simm.s32 @p1 $0x1  }
0x15: {  	[smem:$0x3FA3] =	sst s0;
	s0 =	simm.s32 @!p2 $0x0  }
0x16: {  	s3 =	sld [smem:$0x3FDB];
	s0 =	simm.s32 @p2 $0x1  }
0x17: {  	s4 =	simm.s32 $0x1BF5;
	[smem:$0x3FA5] =	sst s0  }
0x18: {  	s0 =	sld [smem:$0x3F88];
	_ =	swait.ge [sflag:s4], $0x0  }
0x19: {  	s7 =	sld [smem:$0x3F89]  }
0x1a: {  	s8 =	sadd.s32 $0xFFFFE003, lr  }
0x1b: {  	s9 =	sadd.s32 $0xFFFFFEF7, lr;
	s5 =	simm.s32 $0xFFFFFFFF;
	p2 =	slt.u32 s8, $0xFFFFF086  }
0x1c: {  	p1 =	slt.u32 s9, $0xF7A;
	s5 =	simm.s32 @!p2 $0x0  }
0x1d: {  	s5 =	simm.s32 @p1 $0x1;
	p0 =	seq.s32 s7, s2  }
0x1e: {  	s7 =	smul.u32 @!p0 $0xF7A, s2;
	p2 =	seq.s32 @!p0 s5, $0x0  }
0x1f: {  	s9 =	smul.u32 $0xF7A, s1;
	s8 =	simm.s32 @!p0 $0x1BF5;
	p2 =	por !p2, p0  }
0x20: {  	[sflag:s8] =	ssyncset.s32 @!p0 $0xFFFFF086;
	s6 =	sadd.s32 @!p0 s3, s7;
	s7 =	simm.s32 @!p0 $0x108  }
0x21: {  	s3 =	sadd.s32 s3, s9;
	s6 =	sadd.s32 @!p0 $0x88, s6;
	s7 =	simm.s32 @p2 $0x1082  }
0x22: {  	[simem:s7], [sflag:s8] =	dma.local @!p0 [hbm:s6], $0xF7A  }
0x23: {  	s9 =	sor.u32 $0xD0000000, s2;
	s6 =	simm.s32 $0x108;
	_ =	swait.ge @!p0 [sflag:s8], $0x0  }
0x24: {  	s3 =	sadd.s32 $0x88, s3;
	s6 =	simm.s32 @!p1 $0x1082;
	[sflag:s4] =	ssyncset.s32 $0xFFFFF086  }
0x25: {  	[simem:s6], [sflag:s4] =	dma.local [hbm:s3], $0xF7A  }
0x26: {  	[smem:$0x3F89] =	sst s1;
	(tag) =	ssettag s2;
	_ =	strace s9  }
0x27: {  	s1 =	sld [smem:$0x3F99]  }
0x28: {  	s2 =	sld [smem:$0x3F9A]  }
0x29: {  	s4 =	sld [smem:$0x3F9C]  }
0x2a: {  	p0 =	seq.s32 s5, $0x0;
	s5 =	sld [smem:$0x3F9D]  }
0x2b: {  	s6 =	sld [smem:$0x3F9E]  }
0x2c: {  	s7 =	sld [smem:$0x3F9F]  }
0x2d: {  	s3 =	simm.s32 $0x108;
	s8 =	sld [smem:$0x3FA0]  }
0x2e: {  	s3 =	simm.s32 @!p0 $0x1082;
	s9 =	sld [smem:$0x3FA1]  }
0x2f: {  	lr =	sadd.s32 s0, s3;
	s0 =	sld [smem:$0x3F98]  }
0x30: {  	s3 =	sld [smem:$0x3F9B]  }
0x31: {  	[smem:$0x3FA4] =	sst s10  }
0x32: {  	s10 =	sld [smem:$0x3FA2];
	_ =	sdelay $0x3  }
0x33: {  	p0 =	seq.s32 s10, $0x1;
	s10 =	sld [smem:$0x3FA4];
	_ =	sdelay $0x3  }
0x34: {  	[smem:$0x3FA4] =	sst s10  }
0x35: {  	s10 =	sld [smem:$0x3FA3];
	_ =	sdelay $0x3  }
0x36: {  	p1 =	seq.s32 s10, $0x1;
	s10 =	sld [smem:$0x3FA4];
	_ =	sdelay $0x3  }
0x37: {  	[smem:$0x3FA4] =	sst s10  }
0x38: {  	s10 =	sld [smem:$0x3FA5]  }
0x39: {  	_ = 	snop;
	(pc) =	sbr.ind lr, $3  }
0x3a: {  	_ = 	snop  }
0x3b: {  	_ = 	snop  }
0x3c: {  	p2 =	seq.s32 s10, $0x1;
	s10 =	sld [smem:$0x3FA4]  }
0x3d: {  	_ =	shalt  }
0x3e: {  	_ =	shalt  }
0x3f: {  	_ =	shalt  }
0x40: {  	_ =	shalt  }
0x41: {  	_ =	shalt  }
0x42: {  	_ =	shalt  }
0x43: {  	_ =	shalt  }
0x44: {  	_ =	shalt  }
0x45: {  	_ =	shalt  }
0x46: {  	_ =	shalt  }
0x47: {  	_ =	shalt  }
0x48: {  	_ =	shalt  }
0x49: {  	_ =	shalt  }
0x4a: {  	_ =	shalt  }
0x4b: {  	_ =	shalt  }
0x4c: {  	_ =	shalt  }
0x4d: {  	_ =	shalt  }
0x4e: {  	_ =	shalt  }
0x4f: {  	_ =	shalt  }
0x50: {  	_ =	shalt  }
0x51: {  	_ =	shalt  }
0x52: {  	_ =	shalt  }
0x53: {  	_ =	shalt  }
0x54: {  	_ =	shalt  }
0x55: {  	_ =	shalt  }
0x56: {  	_ =	shalt  }
0x57: {  	_ =	shalt  }
0x58: {  	_ =	shalt  }
0x59: {  	_ =	shalt  }
0x5a: {  	_ =	shalt  }
0x5b: {  	_ =	shalt  }
0x5c: {  	_ =	shalt  }
0x5d: {  	_ =	shalt  }
0x5e: {  	_ =	shalt  }
0x5f: {  	_ =	shalt  }
0x60: {  	_ =	shalt  }
0x61: {  	_ =	shalt  }
0x62: {  	_ =	shalt  }
0x63: {  	_ =	shalt  }
0x64: {  	_ =	shalt  }
0x65: {  	_ =	shalt  }
0x66: {  	_ =	shalt  }
0x67: {  	_ =	shalt  }
0x68: {  	_ =	shalt  }
0x69: {  	_ =	shalt  }
0x6a: {  	_ =	shalt  }
0x6b: {  	_ =	shalt  }
0x6c: {  	_ =	shalt  }
0x6d: {  	_ =	shalt  }
0x6e: {  	_ =	shalt  }
0x6f: {  	_ =	shalt  }
0x70: {  	_ =	shalt  }
0x71: {  	_ =	shalt  }
0x72: {  	_ =	shalt  }
0x73: {  	_ =	shalt  }
0x74: {  	_ =	shalt  }
0x75: {  	_ =	shalt  }
0x76: {  	_ =	shalt  }
0x77: {  	_ =	shalt  }
0x78: {  	_ =	shalt  }
0x79: {  	_ =	shalt  }
0x7a: {  	_ =	shalt  }
0x7b: {  	_ =	shalt  }
0x7c: {  	_ =	shalt  }
0x7d: {  	_ =	shalt  }
0x7e: {  	_ =	shalt  }
0x7f: {  	_ =	shalt  }
0x80: {  	_ =	shalt  }
0x81: {  	_ =	shalt  }
0x82: {  	_ =	shalt  }
0x83: {  	_ =	shalt  }
0x84: {  	_ =	shalt  }
0x85: {  	_ =	shalt  }
0x86: {  	_ =	shalt  }
0x87: {  	_ =	shalt  }
.Lfunc_end0:
.L_simem_size_0:
called_computation.1_lowered:
.L_overlay_start_0:
0x88: {  	s2 =	sld [smem:$0x3FD9]  }
0x89: {  	s3 =	sld [smem:$0x3FFE];
	_ =	sdelay $0x1  }
0x8a: {  	s1 =	srdreg.scid  }
0x8b: {  	s0 =	sand.u32 $0x1, s1  }
0x8c: {  	s17 =	sshll.u32 s0, $0xA;
	s2 =	sadd.s32 s3, s2  }
0x8d: {  	s2 =	sadd.s32 s2, s17  }
0x8e: {  	[smem:$0x3FB0] =	sst s2  }
0x8f: {  	_ = 	snop  }
0x90: {  	s2 =	sld [smem:$0x3FC9]  }
0x91: {  	s18 =	sld [smem:$0x3FC8]  }
0x92: {  	s4 =	sld [smem:$0x3FD0];
	(tm) =	ssettm $0x1  }
0x93: {  	s5 =	sld [smem:$0x3FFB];
	_ =	sdelay $0x3  }
0x94: {  	_ =	strace s5  }
0x95: {  	s5 =	sld [smem:$0x3FFC];
	_ =	sdelay $0x3  }
0x96: {  	_ =	strace s5  }
0x97: {  	s5 =	sld [smem:$0x3FFD];
	_ =	sdelay $0x3  }
0x98: {  	_ =	strace s5  }
0x99: {  	_ =	strace $0x8FFFFFFF  }
0x9a: {  	s19 =	sld [smem:$0x3FDB];
	_ =	sdelay $0x1  }
0x9b: {  	s6 =	simm.s32 $_scs_section_size  }
0x9c: {  	s7 =	simm.s32 $_size__tile_overlayer_lowered;
	s8 =	simm.s32 $_tile_overlayer_lowered  }
0x9d: {  	s22 =	simm.s32 $0x1BFF;
	s21 =	sshll.u32 s8, $0x1;
	s5 =	sadd.s32 s6, s19  }
0x9e: {  	s9 =	simm.s32 $0x0;
	s20 =	sshll.u32 s7, $0x1;
	s7 =	sadd.s32 s21, s5  }
0x9f: {  	[timem:s9], [sflag:s22] =	dma.local [hbm:s7], s20  }
0xa0: {  	_ =	swait.ge [sflag:s22], s20  }
0xa1: {  	s6 =	ssub.s32 $0x0, s20;
	[sflag:s22] =	ssyncset.done $0x0  }
0xa2: {  	[sflag:s22] =	ssyncadd.s32 s6;
	_ =	sdelay $0x1  }
0xa3: {  	s23 =	simm.s32 $0x1B8B  }
0xa4: {  	_ =	swait.ge [sflag:s23], $0x1  }
0xa5: {  	[sflag:s23] =	ssyncset.done $0x0  }
0xa6: {  	s25 =	simm.s32 $0x1B8E;
	s24 =	sld [smem:$0x3FFE];
	[sflag:s23] =	ssyncadd.s32 $0xFFFFFFFF  }
0xa7: {  	s26 =	simm.s32 $execute0_lowered;
	[smem:$0x3FD2] =	sst s25  }
0xa8: {  	s7 =	sshll.u32 s26, $0x1;
	_ =	strace $0x80000046;
	[dreg:$0x1] =	wrdreg $0xFFFFFFFF  }
0xa9: {  	s28 =	simm.s32 $_size_execute0_lowered;
	s5 =	sadd.s32 s5, s7;
	[dreg:$0x0] =	wrdreg $0x0  }
0xaa: {  	s7 =	sshll.u32 s28, $0x1;
	[dreg:$0x2] =	wrdreg s5  }
0xab: {  	[dreg:$0x3] =	wrdreg s7  }
0xac: {  	[dreg:$0x4] =	wrdreg $0xC0  }
0xad: {  	_ =	task [dreg:s9], $0x5FFFF  }
0xae: {  	[dreg:$0x1] =	wrdreg $0xFFFFFFFF  }
0xaf: {  	[dreg:$0x0] =	wrdreg $0x60  }
0xb0: {  	[dreg:$0x2] =	wrdreg s2  }
0xb1: {  	[dreg:$0x3] =	wrdreg s18  }
0xb2: {  	[dreg:$0x4] =	wrdreg s24  }
0xb3: {  	[dreg:$0x5] =	wrdreg s4  }
0xb4: {  	[dreg:$0x6] =	wrdreg $0x60000  }
0xb5: {  	[dreg:$0x7] =	wrdreg $0xA  }
0xb6: {  	_ =	task.clear_ibuf [dreg:s9], $0x8FFFF;
	_ =	strace $0x90000046  }
0xb7: {  	s29 =	simm.s32 $0xA;
	_ =	strace $0x80000048  }
0xb8: {  	_ =	swait.ge [sflag:s29], $0x1  }
0xb9: {  	[sflag:s29] =	ssyncadd.s32 $0xFFFFFFFF  }
0xba: {  	_ =	strace $0x90000048  }
0xbb: {  	_ =	sfence  }
0xbc: {  	s30 =	sld [smem:$0x0];
	_ =	sdelay $0x2  }
0xbd: {  	s31 =	sshll.u32 s1, $0xD;
	s1 =	sshrl.u32 s1, $0x2  }
0xbe: {  	s3 =	sand.u32 $0x4000, s31;
	s1 =	sadd.s32 s1, s30  }
0xbf: {  	s0 =	sor.u32 s3, s0;
	s1 =	sshll.u32 s1, $0x11  }
0xc0: {  	s0 =	sor.u32 s1, s0  }
0xc1: {  	s0 =	sadd.s32 $0x8F2B, s0  }
0xc2: {  	[sflag:s0] =	ssyncadd.remote.s32 $0x1  }
0xc3: {  	_ =	sfence.sel $0xFFFF  }
0xc4: {  	[dreg:$0x0] =	wrdreg $0xFFFFFFFF;
	(pc) =	sbr.abs _section_cstart, $3  }
0xc5: {  	[dreg:$0x1] =	wrdreg $0xFFFFFFFF  }
0xc6: {  	_ =	task.clear_ibuf [dreg:s9], $0x2FFFF;
	_ =	strace $0x9FFFFFFF  }
0xc7: {  	(tm) =	ssettm $0x7FFFFFFF  }
tec
execute0_lowered:
.L_overlay_start_1:
0x0: {  	(tag) =	ssettag $0x1  }
0x1: {  	s1 =	rddreg [dreg:$0x0]  }
0x2: {  	s2 =	rddreg [dreg:$0x1]  }
0x3: {  	s11 =	rddreg [dreg:$0x2]  }
0x4: {  	s13 =	rddreg [dreg:$0x3]  }
0x5: {  	s3 =	rddreg [dreg:$0x4]  }
0x6: {  	s0 =	rddreg [dreg:$0x5];
	s4 =	simm.s32 $0x0;
	s10 =	srdreg.scid  }
0x7: {  	s6 =	stileid.u32;
	s18 =	simm.s32 $0x2;
	s19 =	simm.s32 $0x1000  }
0x8: {  	s20 =	simm.s32 $0x80;
	s21 =	simm.s32 $0x2000;
	s22 =	simm.s32 $0x1  }
0x9: {  	[smem:$0x7FF] =	sst s4;
	s5 =	sadd.s32 $0x24800, s11;
	s7 =	sadd.s32 $0x1A800, s11  }
0xa: {  	s8 =	sadd.s32 $0x10800, s11;
	s9 =	sadd.s32 $0x6800, s11;
	s16 =	smul.u32 $0x50000, s6  }
0xb: {  	s14 =	sand.u32 $0x1, s10;
	s10 =	sadd.s32 $0x2E800, s11;
	s12 =	smul.u32 $0x2800, s6  }
.Ltmp0:
0xc: {  	s11 =	sadd.s32 $0x56800, s11;
	s31 =	sshll.u32 s6, $0x6;
	(pc) =	sbr.rel .LBB2_1-.Ltmp0, $4  }
0xd: {  	_ =	strace $0x80000047;
	s15 =	ssub.s32 $0x2, s14;
	p0 =	seq.s32 s14, $0x1  }
0xe: {  	s14 =	smul.u32 $0x5000, s6;
	s17 =	sshrl.u32 s15, $0x1;
	s29 =	sshrl.u32 s16, $0x2  }
0xf: {  	s13 =	sadd.s32 s13, s12;
	s15 =	ssub.s32 s15, s17;
	s30 =	sadd.s32 s29, s3  }
0x10: {  	s16 =	sor.u32 $0x1C02, s31;
	s15 =	smax.u32 s15, $0x1;
	s17 =	sshrl.u32 s30, $0x3  }
.LBB2_10:
0x11: {  	s4 =	sadd.s32 $0x1, s4  }
0x12: {  	p1 =	sne.s32 s4, s15  }
.Ltmp1:
0x13: {  	s23 =	sadd.s32 s23, s12;
	[bflag:$0x0] =	sbarrier.arrive $0xFFFF;
	(pc) =	sbr.rel @!p1 .LBB2_11-.Ltmp1, $4  }
0x14: {  	[hbm:s23], [sflag:s16] =	dma.local [spmem:s17], $0x2800  }
0x15: {  	_ =	swait.ge [sflag:s18], $0x2800  }
0x16: {  	[sflag:s18] =	ssyncset.done $0x0  }
0x17: {  	[sflag:s18] =	ssyncadd.s32 $0xFFFFD800  }
.LBB2_1:
0x18: {  	[spmem:s17], [sflag:s16] =	dma.local [hbm:s13], $0x2800  }
.Ltmp2:
0x19: {  	_ =	swait.ge [sflag:s18], $0x2800;
	(pc) =	sbr.rel @!p0 .LBB2_2-.Ltmp2, $4  }
0x1a: {  	[sflag:s18] =	ssyncset.done $0x0  }
0x1b: {  	[sflag:s18] =	ssyncadd.s32 $0xFFFFD800  }
0x1c: {  	[bflag:$0x0] =	sbarrier.arrive $0xFFFF  }
0x1d: {  	s23 =	simm.s32 $0x0;
	s24 =	simm.s32 $0x0  }
.LBB2_6:
0x1e: {  	s23 =	sshll.u32 s24, $0xC  }
0x1f: {  	s23 =	sadd.s32 s14, s23  }
0x20: {  	s23 =	sshrl.u32 s23, $0x3  }
0x21: {  	s26 =	simm.s32 $0x0;
	s25 =	sadd.s32 s8, s23  }
0x22: {  	[tilespmem:s26], [sflag:$0x2] =	stream.linear.gather [hbm4b:s25+s26], $0x1000, $0x38;
	[tilespmem:$0x1A000] =	vst v63  }
0x23: {  	_ =	swait.ge [sflag:s18], $0x1000  }
0x24: {  	[sflag:s18] =	ssyncset.done $0x0  }
0x25: {  	s23 =	sadd.s32 s9, s23;
	[sflag:s18] =	ssyncadd.s32 $0xFFFFF000  }
0x26: {  	[tilespmem:s19], [sflag:$0x2] =	stream.linear.gather [hbm4b:s23+s26], $0x1000, $0x38;
	[tilespmem:$0x1A000] =	vst v63  }
0x27: {  	_ =	swait.ge [sflag:s18], $0x1000  }
0x28: {  	[sflag:s18] =	ssyncset.done $0x0  }
0x29: {  	s30 =	simm.s32 $0x0;
	[sflag:s18] =	ssyncadd.s32 $0xFFFFF000  }
0x2a: {  	[tilespmem:s21], [sflag:$0x1] =	stream.indirect.gather [hbm4b:s2+s20], $0x80, s30, s20, $0xb8;
	[tilespmem:$0x1A000] =	vst v63  }
0x2b: {  	_ =	swait.ge [sflag:s22], $0x4000  }
0x2c: {  	[sflag:s22] =	ssyncset.done $0x0  }
0x2d: {  	s31 =	simm.s32 $0x1000;
	[sflag:s22] =	ssyncadd.s32 $0xFFFFC000  }
0x2e: {  	[spmem:s3] =	stream.indirect.scatter.add.f32 [tilespmem:s21], [sflag:$0x2], $0x80, s31, s20, $0xb8;
	[tilespmem:$0x1A000] =	vst v63  }
0x2f: {  	_ =	swait.ge [sflag:s18], $0x4000  }
0x30: {  	s25 =	simm.s32 $0x400;
	s23 =	simm.s32 $0x200;
	[sflag:s18] =	ssyncset.done $0x0  }
.LBB2_7:
0x31: {  	s26 =	sshra.s32 s23, $0x2  }
0x32: {  	[sflag:s18] =	ssyncadd.s32 $0xFFFFC000;
	s23 =	smov.u32 s25;
	s28 =	sadd.s32 $0x200, s25  }
0x33: {  	[tilespmem:s21], [sflag:$0x1] =	stream.indirect.gather [hbm4b:s2+s20], $0x80, s26, s20, $0xb8;
	[tilespmem:$0x1A000] =	vst v63  }
0x34: {  	p1 =	sne.s32 s25, $0x3E00;
	_ =	swait.ge [sflag:s22], $0x4000  }
.Ltmp3:
0x35: {  	[sflag:s22] =	ssyncset.done $0x0;
	(pc) =	sbr.rel @p1 .LBB2_7-.Ltmp3, $4  }
0x36: {  	s25 =	sadd.s32 $0x1000, s26;
	[sflag:s22] =	ssyncadd.s32 $0xFFFFC000  }
0x37: {  	[spmem:s3] =	stream.indirect.scatter.add.f32 [tilespmem:s21], [sflag:$0x2], $0x80, s25, s20, $0xb8;
	[tilespmem:$0x1A000] =	vst v63  }
0x38: {  	_ =	swait.ge [sflag:s18], $0x4000  }
0x39: {  	s25 =	smov.u32 s28;
	[sflag:s18] =	ssyncset.done $0x0  }
0x3a: {  	s23 =	sshra.s32 s23, $0x2;
	[sflag:s18] =	ssyncadd.s32 $0xFFFFC000  }
0x3b: {  	[tilespmem:s21], [sflag:$0x1] =	stream.indirect.gather [hbm4b:s2+s20], $0x80, s23, s20, $0xb8;
	[tilespmem:$0x1A000] =	vst v63  }
0x3c: {  	s24 =	sadd.s32 $0x1, s24;
	_ =	swait.ge [sflag:s22], $0x4000  }
0x3d: {  	p1 =	sne.s32 s24, $0x5;
	[sflag:s22] =	ssyncset.done $0x0  }
.Ltmp4:
0x3e: {  	s23 =	sadd.s32 $0x1000, s23;
	[sflag:s22] =	ssyncadd.s32 $0xFFFFC000;
	(pc) =	sbr.rel @p1 .LBB2_6-.Ltmp4, $4  }
0x3f: {  	[spmem:s3] =	stream.indirect.scatter.add.f32 [tilespmem:s21], [sflag:$0x2], $0x80, s23, s20, $0xb8;
	[tilespmem:$0x1A000] =	vst v63  }
0x40: {  	_ =	swait.ge [sflag:s18], $0x4000  }
0x41: {  	[sflag:s18] =	ssyncset.done $0x0  }
0x42: {  	[sflag:s18] =	ssyncadd.s32 $0xFFFFC000  }
.Ltmp5:
0x43: {  	(pc) =	sbr.rel .LBB2_10-.Ltmp5, $2  }
0x44: {  	_ =	sdelay $0x2  }
0x45: {  	s23 =	smov.u32 s11  }
.LBB2_2:
0x46: {  	s24 =	sshll.u32 s23, $0xC  }
0x47: {  	s24 =	sadd.s32 s14, s24  }
0x48: {  	s24 =	sshrl.u32 s24, $0x3  }
0x49: {  	s26 =	simm.s32 $0x0;
	s25 =	sadd.s32 s5, s24  }
0x4a: {  	[tilespmem:s26], [sflag:$0x2] =	stream.linear.gather [hbm4b:s25+s26], $0x1000, $0x38;
	[tilespmem:$0x1A000] =	vst v63  }
0x4b: {  	_ =	swait.ge [sflag:s18], $0x1000  }
0x4c: {  	[sflag:s18] =	ssyncset.done $0x0  }
0x4d: {  	s24 =	sadd.s32 s7, s24;
	[sflag:s18] =	ssyncadd.s32 $0xFFFFF000  }
0x4e: {  	[tilespmem:s19], [sflag:$0x2] =	stream.linear.gather [hbm4b:s24+s26], $0x1000, $0x38;
	[tilespmem:$0x1A000] =	vst v63  }
0x4f: {  	_ =	swait.ge [sflag:s18], $0x1000  }
0x50: {  	[sflag:s18] =	ssyncset.done $0x0  }
0x51: {  	s30 =	simm.s32 $0x0;
	[sflag:s18] =	ssyncadd.s32 $0xFFFFF000  }
0x52: {  	[tilespmem:s21], [sflag:$0x1] =	stream.indirect.gather [hbm4b:s1+s20], $0x80, s30, s20, $0xb8;
	[tilespmem:$0x1A000] =	vst v63  }
0x53: {  	_ =	swait.ge [sflag:s22], $0x4000  }
0x54: {  	[sflag:s22] =	ssyncset.done $0x0  }
0x55: {  	s31 =	simm.s32 $0x1000;
	[sflag:s22] =	ssyncadd.s32 $0xFFFFC000  }
0x56: {  	[spmem:s3] =	stream.indirect.scatter.add.f32 [tilespmem:s21], [sflag:$0x2], $0x80, s31, s20, $0xb8;
	[tilespmem:$0x1A000] =	vst v63  }
0x57: {  	_ =	swait.ge [sflag:s18], $0x4000  }
0x58: {  	s25 =	simm.s32 $0x400;
	s24 =	simm.s32 $0x200;
	[sflag:s18] =	ssyncset.done $0x0  }
.LBB2_3:
0x59: {  	s26 =	sshra.s32 s24, $0x2  }
0x5a: {  	[sflag:s18] =	ssyncadd.s32 $0xFFFFC000;
	s24 =	smov.u32 s25;
	s28 =	sadd.s32 $0x200, s25  }
0x5b: {  	[tilespmem:s21], [sflag:$0x1] =	stream.indirect.gather [hbm4b:s1+s20], $0x80, s26, s20, $0xb8;
	[tilespmem:$0x1A000] =	vst v63  }
0x5c: {  	p1 =	sne.s32 s25, $0x3E00;
	_ =	swait.ge [sflag:s22], $0x4000  }
.Ltmp6:
0x5d: {  	[sflag:s22] =	ssyncset.done $0x0;
	(pc) =	sbr.rel @p1 .LBB2_3-.Ltmp6, $4  }
0x5e: {  	s25 =	sadd.s32 $0x1000, s26;
	[sflag:s22] =	ssyncadd.s32 $0xFFFFC000  }
0x5f: {  	[spmem:s3] =	stream.indirect.scatter.add.f32 [tilespmem:s21], [sflag:$0x2], $0x80, s25, s20, $0xb8;
	[tilespmem:$0x1A000] =	vst v63  }
0x60: {  	_ =	swait.ge [sflag:s18], $0x4000  }
0x61: {  	s25 =	smov.u32 s28;
	[sflag:s18] =	ssyncset.done $0x0  }
0x62: {  	s24 =	sshra.s32 s24, $0x2;
	[sflag:s18] =	ssyncadd.s32 $0xFFFFC000  }
0x63: {  	[tilespmem:s21], [sflag:$0x1] =	stream.indirect.gather [hbm4b:s1+s20], $0x80, s24, s20, $0xb8;
	[tilespmem:$0x1A000] =	vst v63  }
0x64: {  	s23 =	sadd.s32 $0x1, s23;
	_ =	swait.ge [sflag:s22], $0x4000  }
0x65: {  	p1 =	seq.s32 s23, $0x5;
	[sflag:s22] =	ssyncset.done $0x0  }
.Ltmp7:
0x66: {  	s24 =	sadd.s32 $0x1000, s24;
	[sflag:s22] =	ssyncadd.s32 $0xFFFFC000;
	(pc) =	sbr.rel @!p1 .LBB2_2-.Ltmp7, $4  }
0x67: {  	[spmem:s3] =	stream.indirect.scatter.add.f32 [tilespmem:s21], [sflag:$0x2], $0x80, s24, s20, $0xb8;
	[tilespmem:$0x1A000] =	vst v63  }
0x68: {  	_ =	swait.ge [sflag:s18], $0x4000  }
0x69: {  	[sflag:s18] =	ssyncset.done $0x0  }
0x6a: {  	[sflag:s18] =	ssyncadd.s32 $0xFFFFC000  }
.Ltmp8:
0x6b: {  	(pc) =	sbr.rel .LBB2_10-.Ltmp8, $2  }
0x6c: {  	_ =	sdelay $0x2  }
0x6d: {  	s23 =	smov.u32 s10  }
.LBB2_11:
0x6e: {  	_ =	sfence.sel $0x180000  }
0x6f: {  	[bflag:$0x0] =	sbarrier.arrive $0xFFFF  }
0x70: {  	p0 =	sne.s32 s6, $0x0;
	_ =	strace $0x90000047  }
0x71: {  	s0 =	sadd.s32 @!p0 $0x100000, s0;
	[bflag:$0x2] =	sbarrier.arrive $0xFFFF  }
0x72: {  	[sflag:s0] =	ssyncadd.tile.s32 @!p0 $0x1;
	_ =	shalt  }
.Lfunc_end2:
_tile_overlayer_lowered:
.L_overlay_start_2:
0x73: {  	(tag) =	ssettag $0x2  }
0x74: {  	s0 =	rddreg [dreg:$0x0];
	s2 =	stileid.u32  }
0x75: {  	s1 =	rddreg [dreg:$0x1];
	p0 =	sne.s32 s2, $0x0  }
0x76: {  	s3 =	rddreg [dreg:$0x2];
	[bflag:$0x3] =	sbarrier.arrive $0xFFFF;
	s2 =	simm.s32 @!p0 $0x1C02  }
0x77: {  	[timem:s3], [sflag:s2] =	dma.local @!p0 [hbm:s0], s1  }
0x78: {  	s0 =	simm.s32 @!p0 $0x2  }
0x79: {  	_ =	swait.ge @!p0 [sflag:s0], s1  }
0x7a: {  	s1 =	ssub.s32 @!p0 $0x0, s1;
	[sflag:s0] =	ssyncset.done @!p0 $0x0  }
0x7b: {  	[sflag:s0] =	ssyncadd.s32 @!p0 s1  }
0x7c: {  	[bflag:$0x3] =	sbarrier.arrive $0xFFFF  }
0x7d: {  	_ =	shalt  }

// kernel: sc_segment_sum.7.cloned.1.call-start
scs
__scs_entry_jumppad:
0x0: {  	(pc) =	sbr.rel $0x88, $3  }
0x1: {  	(tag) =	ssettag $0x0;
	lr =	simm.s32 $0x1  }
0x2: {  	[smem:$0x3F89] =	sst lr;
	_ =	strace $0xD0000000  }
0x3: {  	_ = 	snop  }
0x4: {  	_ = 	snop  }
0x5: {  	_ = 	snop  }
0x6: {  	_ = 	snop  }
0x7: {  	_ = 	snop  }
__scs_overlays_trampoline_lowered:
0x8: {  	[smem:$0x3F98] =	sst s0  }
0x9: {  	[smem:$0x3F99] =	sst s1  }
0xa: {  	[smem:$0x3F9A] =	sst s2  }
0xb: {  	[smem:$0x3F9B] =	sst s3  }
0xc: {  	[smem:$0x3F9C] =	sst s4  }
0xd: {  	[smem:$0x3F9D] =	sst s5  }
0xe: {  	[smem:$0x3F9E] =	sst s6  }
0xf: {  	[smem:$0x3F9F] =	sst s7  }
0x10: {  	[smem:$0x3FA0] =	sst s8  }
0x11: {  	[smem:$0x3FA1] =	sst s9;
	s0 =	simm.s32 @!p0 $0x0  }
0x12: {  	s1 =	sld [smem:$0x3F87];
	s0 =	simm.s32 @p0 $0x1  }
0x13: {  	[smem:$0x3FA2] =	sst s0;
	s0 =	simm.s32 @!p1 $0x0  }
0x14: {  	s2 =	sld [smem:$0x3F86];
	s0 =	simm.s32 @p1 $0x1  }
0x15: {  	[smem:$0x3FA3] =	sst s0;
	s0 =	simm.s32 @!p2 $0x0  }
0x16: {  	s3 =	sld [smem:$0x3FDB];
	s0 =	simm.s32 @p2 $0x1  }
0x17: {  	s4 =	simm.s32 $0x1BF5;
	[smem:$0x3FA5] =	sst s0  }
0x18: {  	s0 =	sld [smem:$0x3F88];
	_ =	swait.ge [sflag:s4], $0x0  }
0x19: {  	s7 =	sld [smem:$0x3F89]  }
0x1a: {  	s8 =	sadd.s32 $0xFFFFE003, lr  }
0x1b: {  	s9 =	sadd.s32 $0xFFFFFEF7, lr;
	s5 =	simm.s32 $0xFFFFFFFF;
	p2 =	slt.u32 s8, $0xFFFFF086  }
0x1c: {  	p1 =	slt.u32 s9, $0xF7A;
	s5 =	simm.s32 @!p2 $0x0  }
0x1d: {  	s5 =	simm.s32 @p1 $0x1;
	p0 =	seq.s32 s7, s2  }
0x1e: {  	s7 =	smul.u32 @!p0 $0xF7A, s2;
	p2 =	seq.s32 @!p0 s5, $0x0  }
0x1f: {  	s9 =	smul.u32 $0xF7A, s1;
	s8 =	simm.s32 @!p0 $0x1BF5;
	p2 =	por !p2, p0  }
0x20: {  	[sflag:s8] =	ssyncset.s32 @!p0 $0xFFFFF086;
	s6 =	sadd.s32 @!p0 s3, s7;
	s7 =	simm.s32 @!p0 $0x108  }
0x21: {  	s3 =	sadd.s32 s3, s9;
	s6 =	sadd.s32 @!p0 $0x88, s6;
	s7 =	simm.s32 @p2 $0x1082  }
0x22: {  	[simem:s7], [sflag:s8] =	dma.local @!p0 [hbm:s6], $0xF7A  }
0x23: {  	s9 =	sor.u32 $0xD0000000, s2;
	s6 =	simm.s32 $0x108;
	_ =	swait.ge @!p0 [sflag:s8], $0x0  }
0x24: {  	s3 =	sadd.s32 $0x88, s3;
	s6 =	simm.s32 @!p1 $0x1082;
	[sflag:s4] =	ssyncset.s32 $0xFFFFF086  }
0x25: {  	[simem:s6], [sflag:s4] =	dma.local [hbm:s3], $0xF7A  }
0x26: {  	[smem:$0x3F89] =	sst s1;
	(tag) =	ssettag s2;
	_ =	strace s9  }
0x27: {  	s1 =	sld [smem:$0x3F99]  }
0x28: {  	s2 =	sld [smem:$0x3F9A]  }
0x29: {  	s4 =	sld [smem:$0x3F9C]  }
0x2a: {  	p0 =	seq.s32 s5, $0x0;
	s5 =	sld [smem:$0x3F9D]  }
0x2b: {  	s6 =	sld [smem:$0x3F9E]  }
0x2c: {  	s7 =	sld [smem:$0x3F9F]  }
0x2d: {  	s3 =	simm.s32 $0x108;
	s8 =	sld [smem:$0x3FA0]  }
0x2e: {  	s3 =	simm.s32 @!p0 $0x1082;
	s9 =	sld [smem:$0x3FA1]  }
0x2f: {  	lr =	sadd.s32 s0, s3;
	s0 =	sld [smem:$0x3F98]  }
0x30: {  	s3 =	sld [smem:$0x3F9B]  }
0x31: {  	[smem:$0x3FA4] =	sst s10  }
0x32: {  	s10 =	sld [smem:$0x3FA2];
	_ =	sdelay $0x3  }
0x33: {  	p0 =	seq.s32 s10, $0x1;
	s10 =	sld [smem:$0x3FA4];
	_ =	sdelay $0x3  }
0x34: {  	[smem:$0x3FA4] =	sst s10  }
0x35: {  	s10 =	sld [smem:$0x3FA3];
	_ =	sdelay $0x3  }
0x36: {  	p1 =	seq.s32 s10, $0x1;
	s10 =	sld [smem:$0x3FA4];
	_ =	sdelay $0x3  }
0x37: {  	[smem:$0x3FA4] =	sst s10  }
0x38: {  	s10 =	sld [smem:$0x3FA5]  }
0x39: {  	_ = 	snop;
	(pc) =	sbr.ind lr, $3  }
0x3a: {  	_ = 	snop  }
0x3b: {  	_ = 	snop  }
0x3c: {  	p2 =	seq.s32 s10, $0x1;
	s10 =	sld [smem:$0x3FA4]  }
0x3d: {  	_ =	shalt  }
0x3e: {  	_ =	shalt  }
0x3f: {  	_ =	shalt  }
0x40: {  	_ =	shalt  }
0x41: {  	_ =	shalt  }
0x42: {  	_ =	shalt  }
0x43: {  	_ =	shalt  }
0x44: {  	_ =	shalt  }
0x45: {  	_ =	shalt  }
0x46: {  	_ =	shalt  }
0x47: {  	_ =	shalt  }
0x48: {  	_ =	shalt  }
0x49: {  	_ =	shalt  }
0x4a: {  	_ =	shalt  }
0x4b: {  	_ =	shalt  }
0x4c: {  	_ =	shalt  }
0x4d: {  	_ =	shalt  }
0x4e: {  	_ =	shalt  }
0x4f: {  	_ =	shalt  }
0x50: {  	_ =	shalt  }
0x51: {  	_ =	shalt  }
0x52: {  	_ =	shalt  }
0x53: {  	_ =	shalt  }
0x54: {  	_ =	shalt  }
0x55: {  	_ =	shalt  }
0x56: {  	_ =	shalt  }
0x57: {  	_ =	shalt  }
0x58: {  	_ =	shalt  }
0x59: {  	_ =	shalt  }
0x5a: {  	_ =	shalt  }
0x5b: {  	_ =	shalt  }
0x5c: {  	_ =	shalt  }
0x5d: {  	_ =	shalt  }
0x5e: {  	_ =	shalt  }
0x5f: {  	_ =	shalt  }
0x60: {  	_ =	shalt  }
0x61: {  	_ =	shalt  }
0x62: {  	_ =	shalt  }
0x63: {  	_ =	shalt  }
0x64: {  	_ =	shalt  }
0x65: {  	_ =	shalt  }
0x66: {  	_ =	shalt  }
0x67: {  	_ =	shalt  }
0x68: {  	_ =	shalt  }
0x69: {  	_ =	shalt  }
0x6a: {  	_ =	shalt  }
0x6b: {  	_ =	shalt  }
0x6c: {  	_ =	shalt  }
0x6d: {  	_ =	shalt  }
0x6e: {  	_ =	shalt  }
0x6f: {  	_ =	shalt  }
0x70: {  	_ =	shalt  }
0x71: {  	_ =	shalt  }
0x72: {  	_ =	shalt  }
0x73: {  	_ =	shalt  }
0x74: {  	_ =	shalt  }
0x75: {  	_ =	shalt  }
0x76: {  	_ =	shalt  }
0x77: {  	_ =	shalt  }
0x78: {  	_ =	shalt  }
0x79: {  	_ =	shalt  }
0x7a: {  	_ =	shalt  }
0x7b: {  	_ =	shalt  }
0x7c: {  	_ =	shalt  }
0x7d: {  	_ =	shalt  }
0x7e: {  	_ =	shalt  }
0x7f: {  	_ =	shalt  }
0x80: {  	_ =	shalt  }
0x81: {  	_ =	shalt  }
0x82: {  	_ =	shalt  }
0x83: {  	_ =	shalt  }
0x84: {  	_ =	shalt  }
0x85: {  	_ =	shalt  }
0x86: {  	_ =	shalt  }
0x87: {  	_ =	shalt  }
.Lfunc_end0:
.L_simem_size_0:
called_computation.2_lowered:
.L_overlay_start_0:
0x88: {  	s2 =	sld [smem:$0x3FD9]  }
0x89: {  	s3 =	sld [smem:$0x3FFE];
	_ =	sdelay $0x1  }
0x8a: {  	s1 =	srdreg.scid  }
0x8b: {  	s0 =	sand.u32 $0x1, s1  }
0x8c: {  	s17 =	sshll.u32 s0, $0xA;
	s2 =	sadd.s32 s3, s2  }
0x8d: {  	s2 =	sadd.s32 s2, s17  }
0x8e: {  	[smem:$0x3FB0] =	sst s2  }
0x8f: {  	_ = 	snop  }
0x90: {  	s2 =	sld [smem:$0x3FD0];
	(tm) =	ssettm $0x1  }
0x91: {  	s18 =	sld [smem:$0x3FFB];
	_ =	sdelay $0x3  }
0x92: {  	_ =	strace s18  }
0x93: {  	s3 =	sld [smem:$0x3FFC];
	_ =	sdelay $0x3  }
0x94: {  	_ =	strace s3  }
0x95: {  	s3 =	sld [smem:$0x3FFD];
	_ =	sdelay $0x3  }
0x96: {  	_ =	strace s3  }
0x97: {  	_ =	strace $0x8FFFFFFF  }
0x98: {  	s19 =	sld [smem:$0x3FDB];
	_ =	sdelay $0x1  }
0x99: {  	s4 =	simm.s32 $_scs_section_size  }
0x9a: {  	s5 =	simm.s32 $_size__tile_overlayer_lowered;
	s6 =	simm.s32 $_tile_overlayer_lowered  }
0x9b: {  	s22 =	simm.s32 $0x1BFF;
	s21 =	sshll.u32 s6, $0x1;
	s3 =	sadd.s32 s4, s19  }
0x9c: {  	s7 =	simm.s32 $0x0;
	s20 =	sshll.u32 s5, $0x1;
	s5 =	sadd.s32 s21, s3  }
0x9d: {  	[timem:s7], [sflag:s22] =	dma.local [hbm:s5], s20  }
0x9e: {  	_ =	swait.ge [sflag:s22], s20  }
0x9f: {  	s4 =	ssub.s32 $0x0, s20;
	[sflag:s22] =	ssyncset.done $0x0  }
0xa0: {  	[sflag:s22] =	ssyncadd.s32 s4;
	_ =	sdelay $0x1  }
0xa1: {  	s23 =	simm.s32 $0x1B8B  }
0xa2: {  	_ =	swait.ge [sflag:s23], $0x1  }
0xa3: {  	[sflag:s23] =	ssyncset.done $0x0  }
0xa4: {  	s25 =	simm.s32 $0x1B8E;
	s24 =	sld [smem:$0x3FFE];
	[sflag:s23] =	ssyncadd.s32 $0xFFFFFFFF  }
0xa5: {  	s26 =	simm.s32 $execute0_lowered;
	[smem:$0x3FD2] =	sst s25  }
0xa6: {  	s5 =	sshll.u32 s26, $0x1;
	_ =	strace $0x8000004C;
	[dreg:$0x1] =	wrdreg $0xFFFFFFFF  }
0xa7: {  	s28 =	simm.s32 $_size_execute0_lowered;
	s3 =	sadd.s32 s3, s5;
	[dreg:$0x0] =	wrdreg $0x0  }
0xa8: {  	s5 =	sshll.u32 s28, $0x1;
	[dreg:$0x2] =	wrdreg s3  }
0xa9: {  	[dreg:$0x3] =	wrdreg s5  }
0xaa: {  	[dreg:$0x4] =	wrdreg $0xC0  }
0xab: {  	_ =	task [dreg:s7], $0x5FFFF  }
0xac: {  	[dreg:$0x1] =	wrdreg $0xFFFFFFFF  }
0xad: {  	[dreg:$0x0] =	wrdreg $0x60  }
0xae: {  	[dreg:$0x2] =	wrdreg s24  }
0xaf: {  	[dreg:$0x3] =	wrdreg s2  }
0xb0: {  	[dreg:$0x4] =	wrdreg $0x60000  }
0xb1: {  	[dreg:$0x5] =	wrdreg $0x9  }
0xb2: {  	_ =	task.clear_ibuf [dreg:s7], $0x6FFFF;
	_ =	strace $0x9000004C  }
0xb3: {  	s29 =	simm.s32 $0x9;
	_ =	strace $0x8000004E  }
0xb4: {  	_ =	swait.ge [sflag:s29], $0x1  }
0xb5: {  	[sflag:s29] =	ssyncadd.s32 $0xFFFFFFFF  }
0xb6: {  	_ =	strace $0x9000004E  }
0xb7: {  	_ =	sfence  }
0xb8: {  	s30 =	sld [smem:$0x0];
	_ =	sdelay $0x2  }
0xb9: {  	s31 =	sshll.u32 s1, $0xD;
	s1 =	sshrl.u32 s1, $0x2  }
0xba: {  	s3 =	sand.u32 $0x4000, s31;
	s1 =	sadd.s32 s1, s30  }
0xbb: {  	s0 =	sor.u32 s3, s0;
	s1 =	sshll.u32 s1, $0x11  }
0xbc: {  	s0 =	sor.u32 s1, s0  }
0xbd: {  	s0 =	sadd.s32 $0x8F2B, s0  }
0xbe: {  	[sflag:s0] =	ssyncadd.remote.s32 $0x1  }
0xbf: {  	_ =	sfence.sel $0xFFFF  }
0xc0: {  	[dreg:$0x0] =	wrdreg $0xFFFFFFFF;
	(pc) =	sbr.abs _section_cstart, $3  }
0xc1: {  	[dreg:$0x1] =	wrdreg $0xFFFFFFFF  }
0xc2: {  	_ =	task.clear_ibuf [dreg:s7], $0x2FFFF;
	_ =	strace $0x9FFFFFFF  }
0xc3: {  	(tm) =	ssettm $0x7FFFFFFF  }
tec
execute0_lowered:
.L_overlay_start_1:
0x0: {  	(tag) =	ssettag $0x1  }
0x1: {  	s11 =	rddreg [dreg:$0x0]  }
0x2: {  	s13 =	rddreg [dreg:$0x1]  }
0x3: {  	s1 =	rddreg [dreg:$0x2]  }
0x4: {  	s0 =	rddreg [dreg:$0x3];
	s2 =	simm.s32 $0x0  }
0x5: {  	s10 =	srdreg.scid;
	s6 =	stileid.u32;
	s18 =	simm.s32 $0x2  }
0x6: {  	s19 =	simm.s32 $0x1000;
	s20 =	simm.s32 $0x80;
	s21 =	simm.s32 $0x2000  }
0x7: {  	s22 =	simm.s32 $0x1;
	[smem:$0x7FF] =	sst s2;
	s3 =	sadd.s32 $0x2E800, s11  }
0x8: {  	s4 =	sadd.s32 $0x55A00, s11;
	s5 =	sadd.s32 $0x24800, s11;
	s7 =	sadd.s32 $0x1A800, s11  }
0x9: {  	s8 =	sadd.s32 $0x10800, s11;
	s9 =	sadd.s32 $0x6800, s11;
	s16 =	smul.u32 $0x50000, s6  }
0xa: {  	s14 =	sand.u32 $0x1, s10;
	s10 =	sadd.s32 $0xCF000, s11;
	s12 =	smul.u32 $0x2800, s6  }
.Ltmp0:
0xb: {  	s11 =	sadd.s32 $0xF7000, s11;
	s31 =	sshll.u32 s6, $0x6;
	(pc) =	sbr.rel .LBB2_1-.Ltmp0, $4  }
0xc: {  	_ =	strace $0x8000004D;
	s15 =	ssub.s32 $0x2, s14;
	p0 =	seq.s32 s14, $0x1  }
0xd: {  	s14 =	smul.u32 $0x5000, s6;
	s17 =	sshrl.u32 s15, $0x1;
	s29 =	sshrl.u32 s16, $0x2  }
0xe: {  	s13 =	sadd.s32 s13, s12;
	s15 =	ssub.s32 s15, s17;
	s30 =	sadd.s32 s29, s1  }
0xf: {  	s16 =	sor.u32 $0x1C02, s31;
	s15 =	smax.u32 s15, $0x1;
	s17 =	sshrl.u32 s30, $0x3  }
.LBB2_10:
0x10: {  	s2 =	sadd.s32 $0x1, s2  }
0x11: {  	p1 =	sne.s32 s2, s15  }
.Ltmp1:
0x12: {  	s23 =	sadd.s32 s23, s12;
	[bflag:$0x0] =	sbarrier.arrive $0xFFFF;
	(pc) =	sbr.rel @!p1 .LBB2_11-.Ltmp1, $4  }
0x13: {  	[hbm:s23], [sflag:s16] =	dma.local [spmem:s17], $0x2800  }
0x14: {  	_ =	swait.ge [sflag:s18], $0x2800  }
0x15: {  	[sflag:s18] =	ssyncset.done $0x0  }
0x16: {  	[sflag:s18] =	ssyncadd.s32 $0xFFFFD800  }
.LBB2_1:
0x17: {  	[spmem:s17], [sflag:s16] =	dma.local [hbm:s13], $0x2800  }
.Ltmp2:
0x18: {  	_ =	swait.ge [sflag:s18], $0x2800;
	(pc) =	sbr.rel @!p0 .LBB2_2-.Ltmp2, $4  }
0x19: {  	[sflag:s18] =	ssyncset.done $0x0  }
0x1a: {  	[sflag:s18] =	ssyncadd.s32 $0xFFFFD800  }
0x1b: {  	[bflag:$0x0] =	sbarrier.arrive $0xFFFF  }
0x1c: {  	s23 =	simm.s32 $0x0;
	s24 =	simm.s32 $0x0  }
.LBB2_6:
0x1d: {  	s23 =	sshll.u32 s24, $0xC  }
0x1e: {  	s23 =	sadd.s32 s14, s23  }
0x1f: {  	s23 =	sshrl.u32 s23, $0x3  }
0x20: {  	s26 =	simm.s32 $0x0;
	s25 =	sadd.s32 s8, s23  }
0x21: {  	[tilespmem:s26], [sflag:$0x2] =	stream.linear.gather [hbm4b:s25+s26], $0x1000, $0x38;
	[tilespmem:$0x1A000] =	vst v63  }
0x22: {  	_ =	swait.ge [sflag:s18], $0x1000  }
0x23: {  	[sflag:s18] =	ssyncset.done $0x0  }
0x24: {  	s23 =	sadd.s32 s9, s23;
	[sflag:s18] =	ssyncadd.s32 $0xFFFFF000  }
0x25: {  	[tilespmem:s19], [sflag:$0x2] =	stream.linear.gather [hbm4b:s23+s26], $0x1000, $0x38;
	[tilespmem:$0x1A000] =	vst v63  }
0x26: {  	_ =	swait.ge [sflag:s18], $0x1000  }
0x27: {  	[sflag:s18] =	ssyncset.done $0x0  }
0x28: {  	s30 =	simm.s32 $0x0;
	[sflag:s18] =	ssyncadd.s32 $0xFFFFF000  }
0x29: {  	[tilespmem:s21], [sflag:$0x1] =	stream.indirect.gather [hbm4b:s4+s20], $0x80, s30, s20, $0xb8;
	[tilespmem:$0x1A000] =	vst v63  }
0x2a: {  	_ =	swait.ge [sflag:s22], $0x4000  }
0x2b: {  	[sflag:s22] =	ssyncset.done $0x0  }
0x2c: {  	s31 =	simm.s32 $0x1000;
	[sflag:s22] =	ssyncadd.s32 $0xFFFFC000  }
0x2d: {  	[spmem:s1] =	stream.indirect.scatter.add.f32 [tilespmem:s21], [sflag:$0x2], $0x80, s31, s20, $0xb8;
	[tilespmem:$0x1A000] =	vst v63  }
0x2e: {  	_ =	swait.ge [sflag:s18], $0x4000  }
0x2f: {  	s25 =	simm.s32 $0x400;
	s23 =	simm.s32 $0x200;
	[sflag:s18] =	ssyncset.done $0x0  }
.LBB2_7:
0x30: {  	s26 =	sshra.s32 s23, $0x2  }
0x31: {  	[sflag:s18] =	ssyncadd.s32 $0xFFFFC000;
	s23 =	smov.u32 s25;
	s28 =	sadd.s32 $0x200, s25  }
0x32: {  	[tilespmem:s21], [sflag:$0x1] =	stream.indirect.gather [hbm4b:s4+s20], $0x80, s26, s20, $0xb8;
	[tilespmem:$0x1A000] =	vst v63  }
0x33: {  	p1 =	sne.s32 s25, $0x3E00;
	_ =	swait.ge [sflag:s22], $0x4000  }
.Ltmp3:
0x34: {  	[sflag:s22] =	ssyncset.done $0x0;
	(pc) =	sbr.rel @p1 .LBB2_7-.Ltmp3, $4  }
0x35: {  	s25 =	sadd.s32 $0x1000, s26;
	[sflag:s22] =	ssyncadd.s32 $0xFFFFC000  }
0x36: {  	[spmem:s1] =	stream.indirect.scatter.add.f32 [tilespmem:s21], [sflag:$0x2], $0x80, s25, s20, $0xb8;
	[tilespmem:$0x1A000] =	vst v63  }
0x37: {  	_ =	swait.ge [sflag:s18], $0x4000  }
0x38: {  	s25 =	smov.u32 s28;
	[sflag:s18] =	ssyncset.done $0x0  }
0x39: {  	s23 =	sshra.s32 s23, $0x2;
	[sflag:s18] =	ssyncadd.s32 $0xFFFFC000  }
0x3a: {  	[tilespmem:s21], [sflag:$0x1] =	stream.indirect.gather [hbm4b:s4+s20], $0x80, s23, s20, $0xb8;
	[tilespmem:$0x1A000] =	vst v63  }
0x3b: {  	s24 =	sadd.s32 $0x1, s24;
	_ =	swait.ge [sflag:s22], $0x4000  }
0x3c: {  	p1 =	sne.s32 s24, $0x5;
	[sflag:s22] =	ssyncset.done $0x0  }
.Ltmp4:
0x3d: {  	s23 =	sadd.s32 $0x1000, s23;
	[sflag:s22] =	ssyncadd.s32 $0xFFFFC000;
	(pc) =	sbr.rel @p1 .LBB2_6-.Ltmp4, $4  }
0x3e: {  	[spmem:s1] =	stream.indirect.scatter.add.f32 [tilespmem:s21], [sflag:$0x2], $0x80, s23, s20, $0xb8;
	[tilespmem:$0x1A000] =	vst v63  }
0x3f: {  	_ =	swait.ge [sflag:s18], $0x4000  }
0x40: {  	[sflag:s18] =	ssyncset.done $0x0  }
0x41: {  	[sflag:s18] =	ssyncadd.s32 $0xFFFFC000  }
.Ltmp5:
0x42: {  	(pc) =	sbr.rel .LBB2_10-.Ltmp5, $2  }
0x43: {  	_ =	sdelay $0x2  }
0x44: {  	s23 =	smov.u32 s11  }
.LBB2_2:
0x45: {  	s24 =	sshll.u32 s23, $0xC  }
0x46: {  	s24 =	sadd.s32 s14, s24  }
0x47: {  	s24 =	sshrl.u32 s24, $0x3  }
0x48: {  	s26 =	simm.s32 $0x0;
	s25 =	sadd.s32 s5, s24  }
0x49: {  	[tilespmem:s26], [sflag:$0x2] =	stream.linear.gather [hbm4b:s25+s26], $0x1000, $0x38;
	[tilespmem:$0x1A000] =	vst v63  }
0x4a: {  	_ =	swait.ge [sflag:s18], $0x1000  }
0x4b: {  	[sflag:s18] =	ssyncset.done $0x0  }
0x4c: {  	s24 =	sadd.s32 s7, s24;
	[sflag:s18] =	ssyncadd.s32 $0xFFFFF000  }
0x4d: {  	[tilespmem:s19], [sflag:$0x2] =	stream.linear.gather [hbm4b:s24+s26], $0x1000, $0x38;
	[tilespmem:$0x1A000] =	vst v63  }
0x4e: {  	_ =	swait.ge [sflag:s18], $0x1000  }
0x4f: {  	[sflag:s18] =	ssyncset.done $0x0  }
0x50: {  	s30 =	simm.s32 $0x0;
	[sflag:s18] =	ssyncadd.s32 $0xFFFFF000  }
0x51: {  	[tilespmem:s21], [sflag:$0x1] =	stream.indirect.gather [hbm4b:s3+s20], $0x80, s30, s20, $0xb8;
	[tilespmem:$0x1A000] =	vst v63  }
0x52: {  	_ =	swait.ge [sflag:s22], $0x4000  }
0x53: {  	[sflag:s22] =	ssyncset.done $0x0  }
0x54: {  	s31 =	simm.s32 $0x1000;
	[sflag:s22] =	ssyncadd.s32 $0xFFFFC000  }
0x55: {  	[spmem:s1] =	stream.indirect.scatter.add.f32 [tilespmem:s21], [sflag:$0x2], $0x80, s31, s20, $0xb8;
	[tilespmem:$0x1A000] =	vst v63  }
0x56: {  	_ =	swait.ge [sflag:s18], $0x4000  }
0x57: {  	s25 =	simm.s32 $0x400;
	s24 =	simm.s32 $0x200;
	[sflag:s18] =	ssyncset.done $0x0  }
.LBB2_3:
0x58: {  	s26 =	sshra.s32 s24, $0x2  }
0x59: {  	[sflag:s18] =	ssyncadd.s32 $0xFFFFC000;
	s24 =	smov.u32 s25;
	s28 =	sadd.s32 $0x200, s25  }
0x5a: {  	[tilespmem:s21], [sflag:$0x1] =	stream.indirect.gather [hbm4b:s3+s20], $0x80, s26, s20, $0xb8;
	[tilespmem:$0x1A000] =	vst v63  }
0x5b: {  	p1 =	sne.s32 s25, $0x3E00;
	_ =	swait.ge [sflag:s22], $0x4000  }
.Ltmp6:
0x5c: {  	[sflag:s22] =	ssyncset.done $0x0;
	(pc) =	sbr.rel @p1 .LBB2_3-.Ltmp6, $4  }
0x5d: {  	s25 =	sadd.s32 $0x1000, s26;
	[sflag:s22] =	ssyncadd.s32 $0xFFFFC000  }
0x5e: {  	[spmem:s1] =	stream.indirect.scatter.add.f32 [tilespmem:s21], [sflag:$0x2], $0x80, s25, s20, $0xb8;
	[tilespmem:$0x1A000] =	vst v63  }
0x5f: {  	_ =	swait.ge [sflag:s18], $0x4000  }
0x60: {  	s25 =	smov.u32 s28;
	[sflag:s18] =	ssyncset.done $0x0  }
0x61: {  	s24 =	sshra.s32 s24, $0x2;
	[sflag:s18] =	ssyncadd.s32 $0xFFFFC000  }
0x62: {  	[tilespmem:s21], [sflag:$0x1] =	stream.indirect.gather [hbm4b:s3+s20], $0x80, s24, s20, $0xb8;
	[tilespmem:$0x1A000] =	vst v63  }
0x63: {  	s23 =	sadd.s32 $0x1, s23;
	_ =	swait.ge [sflag:s22], $0x4000  }
0x64: {  	p1 =	seq.s32 s23, $0x5;
	[sflag:s22] =	ssyncset.done $0x0  }
.Ltmp7:
0x65: {  	s24 =	sadd.s32 $0x1000, s24;
	[sflag:s22] =	ssyncadd.s32 $0xFFFFC000;
	(pc) =	sbr.rel @!p1 .LBB2_2-.Ltmp7, $4  }
0x66: {  	[spmem:s1] =	stream.indirect.scatter.add.f32 [tilespmem:s21], [sflag:$0x2], $0x80, s24, s20, $0xb8;
	[tilespmem:$0x1A000] =	vst v63  }
0x67: {  	_ =	swait.ge [sflag:s18], $0x4000  }
0x68: {  	[sflag:s18] =	ssyncset.done $0x0  }
0x69: {  	[sflag:s18] =	ssyncadd.s32 $0xFFFFC000  }
.Ltmp8:
0x6a: {  	(pc) =	sbr.rel .LBB2_10-.Ltmp8, $2  }
0x6b: {  	_ =	sdelay $0x2  }
0x6c: {  	s23 =	smov.u32 s10  }
.LBB2_11:
0x6d: {  	_ =	sfence.sel $0x180000  }
0x6e: {  	[bflag:$0x0] =	sbarrier.arrive $0xFFFF  }
0x6f: {  	p0 =	sne.s32 s6, $0x0;
	_ =	strace $0x9000004D  }
0x70: {  	s0 =	sadd.s32 @!p0 $0x100000, s0;
	[bflag:$0x2] =	sbarrier.arrive $0xFFFF  }
0x71: {  	[sflag:s0] =	ssyncadd.tile.s32 @!p0 $0x1;
	_ =	shalt  }
.Lfunc_end2:
_tile_overlayer_lowered:
.L_overlay_start_2:
0x72: {  	(tag) =	ssettag $0x2  }
0x73: {  	s0 =	rddreg [dreg:$0x0];
	s2 =	stileid.u32  }
0x74: {  	s1 =	rddreg [dreg:$0x1];
	p0 =	sne.s32 s2, $0x0  }
0x75: {  	s3 =	rddreg [dreg:$0x2];
	[bflag:$0x3] =	sbarrier.arrive $0xFFFF;
	s2 =	simm.s32 @!p0 $0x1C02  }
0x76: {  	[timem:s3], [sflag:s2] =	dma.local @!p0 [hbm:s0], s1  }
0x77: {  	s0 =	simm.s32 @!p0 $0x2  }
0x78: {  	_ =	swait.ge @!p0 [sflag:s0], s1  }
0x79: {  	s1 =	ssub.s32 @!p0 $0x0, s1;
	[sflag:s0] =	ssyncset.done @!p0 $0x0  }
0x7a: {  	[sflag:s0] =	ssyncadd.s32 @!p0 s1  }
0x7b: {  	[bflag:$0x3] =	sbarrier.arrive $0xFFFF  }
0x7c: {  	_ =	shalt  }

</sc_bundles>
